<compile_context>
chip_gen: v7x
topology: tpu7x:2x2x1
jax: 0.10.2.dev20260603
libtpu: 0.0.44.dev20260713+nightly
codegen_flags: <defaults>
</compile_context>

<pallas_src>
import functools

import jax
import jax.numpy as jnp
from jax import lax
from jax.experimental import pallas as pl
from jax.experimental.pallas import tpu as pltpu
from jax.experimental.pallas import tpu_sc as plsc

_NC = 2
_NS = 16
_NBUF = 4


@functools.lru_cache(maxsize=None)
def _make_gather(B, D, CB, off):
    NW = _NC * _NS
    RPW = CB // NW
    NCH = 2 * _NBUF
    CH = RPW // NCH
    mesh = plsc.VectorSubcoreMesh(core_axis_name="c", subcore_axis_name="s")

    @functools.partial(
        pl.kernel,
        out_type=(jax.ShapeDtypeStruct((CB, D), jnp.float32),
                  jax.ShapeDtypeStruct((CB, D), jnp.float32)),
        mesh=mesh,
        scratch_types=(
            [pltpu.VMEM((RPW,), jnp.int32),
             pltpu.VMEM((RPW,), jnp.int32)]
            + [pltpu.VMEM((CH, D), jnp.float32) for _ in range(_NBUF)]
            + [pltpu.SemaphoreType.DMA for _ in range(2 * _NBUF)]
        ),
    )
    def gather_k(name_tab, dom_tab, name_idx, dom_idx, ne_out, de_out,
                 idx_n, idx_d, *bufsem):
        bufs = bufsem[:_NBUF]
        gsem = bufsem[_NBUF:2 * _NBUF]
        wsem = bufsem[2 * _NBUF:]
        wid = lax.axis_index("s") * _NC + lax.axis_index("c")
        base = wid * RPW
        pltpu.sync_copy(name_idx.at[pl.ds(off + base, RPW)], idx_n)
        pltpu.sync_copy(dom_idx.at[pl.ds(off + base, RPW)], idx_d)

        jobs = []
        for c in range(NCH):
            jobs.append((name_tab, idx_n, ne_out, c))
            jobs.append((dom_tab, idx_d, de_out, c))

        def gather(j):
            tab, idx_v, _, c = jobs[j]
            k = j % _NBUF
            return pltpu.async_copy(
                tab.at[idx_v.at[pl.ds(c * CH, CH)]], bufs[k], gsem[k])

        def write(j):
            _, _, out, c = jobs[j]
            k = j % _NBUF
            return pltpu.async_copy(
                bufs[k], out.at[pl.ds(base + c * CH, CH)], wsem[k])

        n_jobs = len(jobs)
        g = [None] * n_jobs
        w = [None] * n_jobs
        for j in range(_NBUF):
            g[j] = gather(j)
        for j in range(n_jobs):
            g[j].wait()
            w[j] = write(j)
            nxt = j + _NBUF
            if nxt < n_jobs:
                w[j].wait()
                g[nxt] = gather(nxt)
        for j in range(n_jobs - _NBUF, n_jobs):
            w[j].wait()

    return gather_k


def _mlp_body(ne_ref, de_ref, w1a_ref, w1b_ref, b1_ref, w2_ref, b2_ref,
              out_ref):
    h = jnp.dot(ne_ref[...].astype(jnp.bfloat16),
                w1a_ref[...].astype(jnp.bfloat16),
                preferred_element_type=jnp.float32)
    h = h + jnp.dot(de_ref[...].astype(jnp.bfloat16),
                    w1b_ref[...].astype(jnp.bfloat16),
                    preferred_element_type=jnp.float32)
    h = jnp.maximum(h + b1_ref[...], 0.0)
    v = jnp.dot(h, w2_ref[...], preferred_element_type=jnp.float32)
    out_ref[...] = 5.0 * jax.nn.sigmoid(v[:, 0] + b2_ref[0])


@functools.lru_cache(maxsize=None)
def _make_mlp(B, D, H, BLK):
    grid = (B // BLK,)
    return pl.pallas_call(
        _mlp_body,
        grid=grid,
        in_specs=[
            pl.BlockSpec((BLK, D), lambda i: (i, 0)),
            pl.BlockSpec((BLK, D), lambda i: (i, 0)),
            pl.BlockSpec((D, H), lambda i: (0, 0)),
            pl.BlockSpec((D, H), lambda i: (1, 0)),
            pl.BlockSpec((1, H), lambda i: (0, 0)),
            pl.BlockSpec((H, 1), lambda i: (0, 0)),
            pl.BlockSpec(memory_space=pltpu.SMEM),
        ],
        out_specs=pl.BlockSpec((BLK,), lambda i: (i,)),
        out_shape=jax.ShapeDtypeStruct((B,), jnp.float32),
    )


def kernel(name_indices, domain_indices, name_table, domain_table,
           W1, b1, W2, b2):
    B = name_indices.shape[0]
    D = name_table.shape[1]
    H = W1.shape[1]
    ni = (name_indices if name_indices.dtype == jnp.int32
          else name_indices.astype(jnp.int32))
    di = (domain_indices if domain_indices.dtype == jnp.int32
          else domain_indices.astype(jnp.int32))
    b1r = b1.reshape(1, H)
    ne, de = _make_gather(B, D, B, 0)(name_table, domain_table, ni, di)
    return _make_mlp(B, D, H, 4096)(ne, de, W1, W1, b1r, W2, b2)

# --- scband reference (transcript-rebuilt; emitter-appended) ---
"""Pipeline reference for scband-ncfmodel-87497073754857 (READ-ONLY COPY).

The authoritative reference and input builder live on the scoring server;
editing this copy changes nothing except your own understanding.
"""

import jax, jax.numpy as jnp
import numpy as np

NUM_NAMES = 100000
NUM_DOMAINS = 1000
EMBED_DIM = 128
BATCH = 16384

def setup_inputs(seed: int = 0) -> dict:
    key = jax.random.key(seed)
    k1, k2, k3, k4, k5, k6, k7, k8 = jax.random.split(key, 8)
    name_indices = jax.random.randint(k1, (BATCH,), 0, NUM_NAMES, dtype=jnp.int64 if jax.config.jax_enable_x64 else jnp.int32)
    domain_indices = jax.random.randint(k2, (BATCH,), 0, NUM_DOMAINS, dtype=jnp.int64 if jax.config.jax_enable_x64 else jnp.int32)
    name_table = jax.random.normal(k3, (NUM_NAMES, EMBED_DIM), dtype=jnp.float32)
    domain_table = jax.random.normal(k4, (NUM_DOMAINS, EMBED_DIM), dtype=jnp.float32)
    # fc1: Linear(embedding_dim*2 -> 64); fc2: Linear(64 -> 1)
    lim1 = 1.0 / np.sqrt(EMBED_DIM * 2)
    W1 = jax.random.uniform(k5, (EMBED_DIM * 2, 64), dtype=jnp.float32, minval=-lim1, maxval=lim1)
    b1 = jax.random.uniform(k6, (64,), dtype=jnp.float32, minval=-lim1, maxval=lim1)
    lim2 = 1.0 / np.sqrt(64)
    W2 = jax.random.uniform(k7, (64, 1), dtype=jnp.float32, minval=-lim2, maxval=lim2)
    b2 = jax.random.uniform(k8, (1,), dtype=jnp.float32, minval=-lim2, maxval=lim2)
    return {"name_indices": name_indices, "domain_indices": domain_indices,
            "name_table": name_table, "domain_table": domain_table,
            "W1": W1, "b1": b1, "W2": W2, "b2": b2}

def reference(name_indices, domain_indices, name_table, domain_table, W1, b1, W2, b2):
    name_embeds = jnp.take(name_table, name_indices, axis=0)
    domain_embeds = jnp.take(domain_table, domain_indices, axis=0)
    combined = jnp.concatenate([name_embeds, domain_embeds], axis=1)
    h = combined @ W1 + b1
    # dropout (p=0.2) is identity in eval mode
    x = jax.nn.relu(h)
    rating = jax.nn.sigmoid(x @ W2 + b2) * 5.0
    return rating.squeeze(1)

if __name__ == "__main__":
    import jax
    _d = setup_inputs()
    print(jax.jit(kernel)(*tuple(_d.values())))

</pallas_src>

<mosaic_0001>
#map = affine_map<(d0, d1) -> (0, 0)>
#map1 = affine_map<(d0, d1) -> (0)>
module attributes {stable_mosaic.version = 14 : i64} {
  func.func @gather_k(%arg0: i32, %arg1: i32, %arg2: memref<100000x128xf32, #tpu.memory_space<hbm>>, %arg3: memref<1000x128xf32, #tpu.memory_space<hbm>>, %arg4: memref<16384xi32, #tpu.memory_space<hbm>>, %arg5: memref<16384xi32, #tpu.memory_space<hbm>>, %arg6: memref<16384x128xf32, #tpu.memory_space<hbm>>, %arg7: memref<16384x128xf32, #tpu.memory_space<hbm>>, %arg8: memref<512xi32, #tpu.memory_space<vmem>>, %arg9: memref<512xi32, #tpu.memory_space<vmem>>, %arg10: memref<64x128xf32, #tpu.memory_space<vmem>>, %arg11: memref<64x128xf32, #tpu.memory_space<vmem>>, %arg12: memref<64x128xf32, #tpu.memory_space<vmem>>, %arg13: memref<64x128xf32, #tpu.memory_space<vmem>>, %arg14: memref<!tpu.dma_semaphore, #tpu.memory_space<semaphore_mem>>, %arg15: memref<!tpu.dma_semaphore, #tpu.memory_space<semaphore_mem>>, %arg16: memref<!tpu.dma_semaphore, #tpu.memory_space<semaphore_mem>>, %arg17: memref<!tpu.dma_semaphore, #tpu.memory_space<semaphore_mem>>, %arg18: memref<!tpu.dma_semaphore, #tpu.memory_space<semaphore_mem>>, %arg19: memref<!tpu.dma_semaphore, #tpu.memory_space<semaphore_mem>>, %arg20: memref<!tpu.dma_semaphore, #tpu.memory_space<semaphore_mem>>, %arg21: memref<!tpu.dma_semaphore, #tpu.memory_space<semaphore_mem>>) attributes {dimension_semantics = [#tpu.dimension_semantics<core_parallel>, #tpu.dimension_semantics<subcore_parallel>], iteration_bounds = array<i64: 2, 16>, scalar_prefetch = 0 : i64, scratch_operands = 14 : i64, tpu.core_type = #tpu.core_type<sc_vector_subcore>, window_params = [{transform_indices = #map}, {transform_indices = #map}, {transform_indices = #map1}, {transform_indices = #map1}, {transform_indices = #map}, {transform_indices = #map}]} {
    %mul3A = arith.constant 2 : i32
    %mul3A_0 = arith.muli %arg1, %mul3A : i32
    %add3A = arith.addi %mul3A_0, %arg0 : i32
    %mul3A_1 = arith.constant 512 : i32
    %mul3A_2 = arith.muli %add3A, %mul3A_1 : i32
    %add3A_3 = arith.constant 0 : i32
    %add3A_4 = arith.addi %add3A_3, %mul3A_2 : i32
    "tpu.region"() ({
      %run_scoped3A = tpu.sem_alloc : memref<!tpu.dma_semaphore, #tpu.memory_space<semaphore_mem>>
      %dma_start3A_325 = tpu.memref_slice %arg4[%add3A_4] : memref<16384xi32, #tpu.memory_space<hbm>> -> memref<512xi32, #tpu.memory_space<hbm>>
      %dma_start3A_326 = tpu.memref_slice %arg4[%add3A_4] : memref<16384xi32, #tpu.memory_space<hbm>> -> memref<512xi32, #tpu.memory_space<hbm>>
      tpu.enqueue_dma source(%dma_start3A_326 : memref<512xi32, #tpu.memory_space<hbm>>) target(%arg8 : memref<512xi32, #tpu.memory_space<vmem>>) target_semaphore(%run_scoped3A : memref<!tpu.dma_semaphore, #tpu.memory_space<semaphore_mem>>)
      %dma_wait3A_327 = tpu.memref_slice %arg4[%add3A_4] : memref<16384xi32, #tpu.memory_space<hbm>> -> memref<512xi32, #tpu.memory_space<hbm>>
      %dma_wait3A_328 = tpu.memref_slice %arg4[%add3A_4] : memref<16384xi32, #tpu.memory_space<hbm>> -> memref<512xi32, #tpu.memory_space<hbm>>
      tpu.wait_dma2 semaphore(%run_scoped3A : memref<!tpu.dma_semaphore, #tpu.memory_space<semaphore_mem>>) src(%dma_wait3A_328 : memref<512xi32, #tpu.memory_space<hbm>>) dst(%arg8 : memref<512xi32, #tpu.memory_space<vmem>>)
      tpu.yield
    }) : () -> ()
    %add3A_5 = arith.constant 0 : i32
    %add3A_6 = arith.addi %add3A_5, %mul3A_2 : i32
    "tpu.region"() ({
      %run_scoped3A = tpu.sem_alloc : memref<!tpu.dma_semaphore, #tpu.memory_space<semaphore_mem>>
      %dma_start3A_325 = tpu.memref_slice %arg5[%add3A_6] : memref<16384xi32, #tpu.memory_space<hbm>> -> memref<512xi32, #tpu.memory_space<hbm>>
      %dma_start3A_326 = tpu.memref_slice %arg5[%add3A_6] : memref<16384xi32, #tpu.memory_space<hbm>> -> memref<512xi32, #tpu.memory_space<hbm>>
      tpu.enqueue_dma source(%dma_start3A_326 : memref<512xi32, #tpu.memory_space<hbm>>) target(%arg9 : memref<512xi32, #tpu.memory_space<vmem>>) target_semaphore(%run_scoped3A : memref<!tpu.dma_semaphore, #tpu.memory_space<semaphore_mem>>)
      %dma_wait3A_327 = tpu.memref_slice %arg5[%add3A_6] : memref<16384xi32, #tpu.memory_space<hbm>> -> memref<512xi32, #tpu.memory_space<hbm>>
      %dma_wait3A_328 = tpu.memref_slice %arg5[%add3A_6] : memref<16384xi32, #tpu.memory_space<hbm>> -> memref<512xi32, #tpu.memory_space<hbm>>
      tpu.wait_dma2 semaphore(%run_scoped3A : memref<!tpu.dma_semaphore, #tpu.memory_space<semaphore_mem>>) src(%dma_wait3A_328 : memref<512xi32, #tpu.memory_space<hbm>>) dst(%arg9 : memref<512xi32, #tpu.memory_space<vmem>>)
      tpu.yield
    }) : () -> ()
    %dma_start3A = arith.constant 0 : i32
    %dma_start3A_7 = tpu.memref_slice %arg8[%dma_start3A] : memref<512xi32, #tpu.memory_space<vmem>> -> memref<64xi32, #tpu.memory_space<vmem>>
    %dma_start3A_8 = arith.constant 0 : i32
    %dma_start3A_9 = arith.constant 0 : i32
    %dma_start3A_10 = tpu.memref_slice %arg2[%dma_start3A_8, %dma_start3A_9] : memref<100000x128xf32, #tpu.memory_space<hbm>> -> memref<100000x128xf32, #tpu.memory_space<hbm>>
    tpu.enqueue_indirect_dma source(%dma_start3A_10 : memref<100000x128xf32, #tpu.memory_space<hbm>>) target(%arg10 : memref<64x128xf32, #tpu.memory_space<vmem>>) offsets(%dma_start3A_7 : memref<64xi32, #tpu.memory_space<vmem>>) semaphore(%arg14 : memref<!tpu.dma_semaphore, #tpu.memory_space<semaphore_mem>>)
    %dma_start3A_11 = arith.constant 0 : i32
    %dma_start3A_12 = tpu.memref_slice %arg9[%dma_start3A_11] : memref<512xi32, #tpu.memory_space<vmem>> -> memref<64xi32, #tpu.memory_space<vmem>>
    %dma_start3A_13 = arith.constant 0 : i32
    %dma_start3A_14 = arith.constant 0 : i32
    %dma_start3A_15 = tpu.memref_slice %arg3[%dma_start3A_13, %dma_start3A_14] : memref<1000x128xf32, #tpu.memory_space<hbm>> -> memref<1000x128xf32, #tpu.memory_space<hbm>>
    tpu.enqueue_indirect_dma source(%dma_start3A_15 : memref<1000x128xf32, #tpu.memory_space<hbm>>) target(%arg11 : memref<64x128xf32, #tpu.memory_space<vmem>>) offsets(%dma_start3A_12 : memref<64xi32, #tpu.memory_space<vmem>>) semaphore(%arg15 : memref<!tpu.dma_semaphore, #tpu.memory_space<semaphore_mem>>)
    %dma_start3A_16 = arith.constant 64 : i32
    %dma_start3A_17 = tpu.memref_slice %arg8[%dma_start3A_16] : memref<512xi32, #tpu.memory_space<vmem>> -> memref<64xi32, #tpu.memory_space<vmem>>
    %dma_start3A_18 = arith.constant 0 : i32
    %dma_start3A_19 = arith.constant 0 : i32
    %dma_start3A_20 = tpu.memref_slice %arg2[%dma_start3A_18, %dma_start3A_19] : memref<100000x128xf32, #tpu.memory_space<hbm>> -> memref<100000x128xf32, #tpu.memory_space<hbm>>
    tpu.enqueue_indirect_dma source(%dma_start3A_20 : memref<100000x128xf32, #tpu.memory_space<hbm>>) target(%arg12 : memref<64x128xf32, #tpu.memory_space<vmem>>) offsets(%dma_start3A_17 : memref<64xi32, #tpu.memory_space<vmem>>) semaphore(%arg16 : memref<!tpu.dma_semaphore, #tpu.memory_space<semaphore_mem>>)
    %dma_start3A_21 = arith.constant 64 : i32
    %dma_start3A_22 = tpu.memref_slice %arg9[%dma_start3A_21] : memref<512xi32, #tpu.memory_space<vmem>> -> memref<64xi32, #tpu.memory_space<vmem>>
    %dma_start3A_23 = arith.constant 0 : i32
    %dma_start3A_24 = arith.constant 0 : i32
    %dma_start3A_25 = tpu.memref_slice %arg3[%dma_start3A_23, %dma_start3A_24] : memref<1000x128xf32, #tpu.memory_space<hbm>> -> memref<1000x128xf32, #tpu.memory_space<hbm>>
    tpu.enqueue_indirect_dma source(%dma_start3A_25 : memref<1000x128xf32, #tpu.memory_space<hbm>>) target(%arg13 : memref<64x128xf32, #tpu.memory_space<vmem>>) offsets(%dma_start3A_22 : memref<64xi32, #tpu.memory_space<vmem>>) semaphore(%arg17 : memref<!tpu.dma_semaphore, #tpu.memory_space<semaphore_mem>>)
    %dma_wait3A = arith.constant 0 : i32
    %dma_wait3A_26 = tpu.memref_slice %arg8[%dma_wait3A] : memref<512xi32, #tpu.memory_space<vmem>> -> memref<64xi32, #tpu.memory_space<vmem>>
    %dma_wait3A_27 = arith.constant 0 : i32
    %dma_wait3A_28 = arith.constant 0 : i32
    %dma_wait3A_29 = tpu.memref_slice %arg2[%dma_wait3A_27, %dma_wait3A_28] : memref<100000x128xf32, #tpu.memory_space<hbm>> -> memref<100000x128xf32, #tpu.memory_space<hbm>>
    tpu.wait_indirect_dma semaphore(%arg14 : memref<!tpu.dma_semaphore, #tpu.memory_space<semaphore_mem>>) src(%dma_wait3A_29 : memref<100000x128xf32, #tpu.memory_space<hbm>>) dst(%arg10 : memref<64x128xf32, #tpu.memory_space<vmem>>)
    %add3A_30 = arith.constant 0 : i32
    %add3A_31 = arith.addi %mul3A_2, %add3A_30 : i32
    %dma_start3A_32 = arith.constant 0 : i32
    %dma_start3A_33 = tpu.memref_slice %arg6[%add3A_31, %dma_start3A_32] : memref<16384x128xf32, #tpu.memory_space<hbm>> -> memref<64x128xf32, #tpu.memory_space<hbm>>
    %dma_start3A_34 = arith.constant 0 : i32
    %dma_start3A_35 = tpu.memref_slice %arg6[%add3A_31, %dma_start3A_34] : memref<16384x128xf32, #tpu.memory_space<hbm>> -> memref<64x128xf32, #tpu.memory_space<hbm>>
    tpu.enqueue_dma source(%arg10 : memref<64x128xf32, #tpu.memory_space<vmem>>) target(%dma_start3A_35 : memref<64x128xf32, #tpu.memory_space<hbm>>) target_semaphore(%arg18 : memref<!tpu.dma_semaphore, #tpu.memory_space<semaphore_mem>>)
    %dma_wait3A_36 = arith.constant 0 : i32
    %dma_wait3A_37 = tpu.memref_slice %arg6[%add3A_31, %dma_wait3A_36] : memref<16384x128xf32, #tpu.memory_space<hbm>> -> memref<64x128xf32, #tpu.memory_space<hbm>>
    %dma_wait3A_38 = arith.constant 0 : i32
    %dma_wait3A_39 = tpu.memref_slice %arg6[%add3A_31, %dma_wait3A_38] : memref<16384x128xf32, #tpu.memory_space<hbm>> -> memref<64x128xf32, #tpu.memory_space<hbm>>
    tpu.wait_dma2 semaphore(%arg18 : memref<!tpu.dma_semaphore, #tpu.memory_space<semaphore_mem>>) src(%arg10 : memref<64x128xf32, #tpu.memory_space<vmem>>) dst(%dma_wait3A_39 : memref<64x128xf32, #tpu.memory_space<hbm>>)
    %dma_start3A_40 = arith.constant 128 : i32
    %dma_start3A_41 = tpu.memref_slice %arg8[%dma_start3A_40] : memref<512xi32, #tpu.memory_space<vmem>> -> memref<64xi32, #tpu.memory_space<vmem>>
    %dma_start3A_42 = arith.constant 0 : i32
    %dma_start3A_43 = arith.constant 0 : i32
    %dma_start3A_44 = tpu.memref_slice %arg2[%dma_start3A_42, %dma_start3A_43] : memref<100000x128xf32, #tpu.memory_space<hbm>> -> memref<100000x128xf32, #tpu.memory_space<hbm>>
    tpu.enqueue_indirect_dma source(%dma_start3A_44 : memref<100000x128xf32, #tpu.memory_space<hbm>>) target(%arg10 : memref<64x128xf32, #tpu.memory_space<vmem>>) offsets(%dma_start3A_41 : memref<64xi32, #tpu.memory_space<vmem>>) semaphore(%arg14 : memref<!tpu.dma_semaphore, #tpu.memory_space<semaphore_mem>>)
    %dma_wait3A_45 = arith.constant 0 : i32
    %dma_wait3A_46 = tpu.memref_slice %arg9[%dma_wait3A_45] : memref<512xi32, #tpu.memory_space<vmem>> -> memref<64xi32, #tpu.memory_space<vmem>>
    %dma_wait3A_47 = arith.constant 0 : i32
    %dma_wait3A_48 = arith.constant 0 : i32
    %dma_wait3A_49 = tpu.memref_slice %arg3[%dma_wait3A_47, %dma_wait3A_48] : memref<1000x128xf32, #tpu.memory_space<hbm>> -> memref<1000x128xf32, #tpu.memory_space<hbm>>
    tpu.wait_indirect_dma semaphore(%arg15 : memref<!tpu.dma_semaphore, #tpu.memory_space<semaphore_mem>>) src(%dma_wait3A_49 : memref<1000x128xf32, #tpu.memory_space<hbm>>) dst(%arg11 : memref<64x128xf32, #tpu.memory_space<vmem>>)
    %add3A_50 = arith.constant 0 : i32
    %add3A_51 = arith.addi %mul3A_2, %add3A_50 : i32
    %dma_start3A_52 = arith.constant 0 : i32
    %dma_start3A_53 = tpu.memref_slice %arg7[%add3A_51, %dma_start3A_52] : memref<16384x128xf32, #tpu.memory_space<hbm>> -> memref<64x128xf32, #tpu.memory_space<hbm>>
    %dma_start3A_54 = arith.constant 0 : i32
    %dma_start3A_55 = tpu.memref_slice %arg7[%add3A_51, %dma_start3A_54] : memref<16384x128xf32, #tpu.memory_space<hbm>> -> memref<64x128xf32, #tpu.memory_space<hbm>>
    tpu.enqueue_dma source(%arg11 : memref<64x128xf32, #tpu.memory_space<vmem>>) target(%dma_start3A_55 : memref<64x128xf32, #tpu.memory_space<hbm>>) target_semaphore(%arg19 : memref<!tpu.dma_semaphore, #tpu.memory_space<semaphore_mem>>)
    %dma_wait3A_56 = arith.constant 0 : i32
    %dma_wait3A_57 = tpu.memref_slice %arg7[%add3A_51, %dma_wait3A_56] : memref<16384x128xf32, #tpu.memory_space<hbm>> -> memref<64x128xf32, #tpu.memory_space<hbm>>
    %dma_wait3A_58 = arith.constant 0 : i32
    %dma_wait3A_59 = tpu.memref_slice %arg7[%add3A_51, %dma_wait3A_58] : memref<16384x128xf32, #tpu.memory_space<hbm>> -> memref<64x128xf32, #tpu.memory_space<hbm>>
    tpu.wait_dma2 semaphore(%arg19 : memref<!tpu.dma_semaphore, #tpu.memory_space<semaphore_mem>>) src(%arg11 : memref<64x128xf32, #tpu.memory_space<vmem>>) dst(%dma_wait3A_59 : memref<64x128xf32, #tpu.memory_space<hbm>>)
    %dma_start3A_60 = arith.constant 128 : i32
    %dma_start3A_61 = tpu.memref_slice %arg9[%dma_start3A_60] : memref<512xi32, #tpu.memory_space<vmem>> -> memref<64xi32, #tpu.memory_space<vmem>>
    %dma_start3A_62 = arith.constant 0 : i32
    %dma_start3A_63 = arith.constant 0 : i32
    %dma_start3A_64 = tpu.memref_slice %arg3[%dma_start3A_62, %dma_start3A_63] : memref<1000x128xf32, #tpu.memory_space<hbm>> -> memref<1000x128xf32, #tpu.memory_space<hbm>>
    tpu.enqueue_indirect_dma source(%dma_start3A_64 : memref<1000x128xf32, #tpu.memory_space<hbm>>) target(%arg11 : memref<64x128xf32, #tpu.memory_space<vmem>>) offsets(%dma_start3A_61 : memref<64xi32, #tpu.memory_space<vmem>>) semaphore(%arg15 : memref<!tpu.dma_semaphore, #tpu.memory_space<semaphore_mem>>)
    %dma_wait3A_65 = arith.constant 64 : i32
    %dma_wait3A_66 = tpu.memref_slice %arg8[%dma_wait3A_65] : memref<512xi32, #tpu.memory_space<vmem>> -> memref<64xi32, #tpu.memory_space<vmem>>
    %dma_wait3A_67 = arith.constant 0 : i32
    %dma_wait3A_68 = arith.constant 0 : i32
    %dma_wait3A_69 = tpu.memref_slice %arg2[%dma_wait3A_67, %dma_wait3A_68] : memref<100000x128xf32, #tpu.memory_space<hbm>> -> memref<100000x128xf32, #tpu.memory_space<hbm>>
    tpu.wait_indirect_dma semaphore(%arg16 : memref<!tpu.dma_semaphore, #tpu.memory_space<semaphore_mem>>) src(%dma_wait3A_69 : memref<100000x128xf32, #tpu.memory_space<hbm>>) dst(%arg12 : memref<64x128xf32, #tpu.memory_space<vmem>>)
    %add3A_70 = arith.constant 64 : i32
    %add3A_71 = arith.addi %mul3A_2, %add3A_70 : i32
    %dma_start3A_72 = arith.constant 0 : i32
    %dma_start3A_73 = tpu.memref_slice %arg6[%add3A_71, %dma_start3A_72] : memref<16384x128xf32, #tpu.memory_space<hbm>> -> memref<64x128xf32, #tpu.memory_space<hbm>>
    %dma_start3A_74 = arith.constant 0 : i32
    %dma_start3A_75 = tpu.memref_slice %arg6[%add3A_71, %dma_start3A_74] : memref<16384x128xf32, #tpu.memory_space<hbm>> -> memref<64x128xf32, #tpu.memory_space<hbm>>
    tpu.enqueue_dma source(%arg12 : memref<64x128xf32, #tpu.memory_space<vmem>>) target(%dma_start3A_75 : memref<64x128xf32, #tpu.memory_space<hbm>>) target_semaphore(%arg20 : memref<!tpu.dma_semaphore, #tpu.memory_space<semaphore_mem>>)
    %dma_wait3A_76 = arith.constant 0 : i32
    %dma_wait3A_77 = tpu.memref_slice %arg6[%add3A_71, %dma_wait3A_76] : memref<16384x128xf32, #tpu.memory_space<hbm>> -> memref<64x128xf32, #tpu.memory_space<hbm>>
    %dma_wait3A_78 = arith.constant 0 : i32
    %dma_wait3A_79 = tpu.memref_slice %arg6[%add3A_71, %dma_wait3A_78] : memref<16384x128xf32, #tpu.memory_space<hbm>> -> memref<64x128xf32, #tpu.memory_space<hbm>>
    tpu.wait_dma2 semaphore(%arg20 : memref<!tpu.dma_semaphore, #tpu.memory_space<semaphore_mem>>) src(%arg12 : memref<64x128xf32, #tpu.memory_space<vmem>>) dst(%dma_wait3A_79 : memref<64x128xf32, #tpu.memory_space<hbm>>)
    %dma_start3A_80 = arith.constant 192 : i32
    %dma_start3A_81 = tpu.memref_slice %arg8[%dma_start3A_80] : memref<512xi32, #tpu.memory_space<vmem>> -> memref<64xi32, #tpu.memory_space<vmem>>
    %dma_start3A_82 = arith.constant 0 : i32
    %dma_start3A_83 = arith.constant 0 : i32
    %dma_start3A_84 = tpu.memref_slice %arg2[%dma_start3A_82, %dma_start3A_83] : memref<100000x128xf32, #tpu.memory_space<hbm>> -> memref<100000x128xf32, #tpu.memory_space<hbm>>
    tpu.enqueue_indirect_dma source(%dma_start3A_84 : memref<100000x128xf32, #tpu.memory_space<hbm>>) target(%arg12 : memref<64x128xf32, #tpu.memory_space<vmem>>) offsets(%dma_start3A_81 : memref<64xi32, #tpu.memory_space<vmem>>) semaphore(%arg16 : memref<!tpu.dma_semaphore, #tpu.memory_space<semaphore_mem>>)
    %dma_wait3A_85 = arith.constant 64 : i32
    %dma_wait3A_86 = tpu.memref_slice %arg9[%dma_wait3A_85] : memref<512xi32, #tpu.memory_space<vmem>> -> memref<64xi32, #tpu.memory_space<vmem>>
    %dma_wait3A_87 = arith.constant 0 : i32
    %dma_wait3A_88 = arith.constant 0 : i32
    %dma_wait3A_89 = tpu.memref_slice %arg3[%dma_wait3A_87, %dma_wait3A_88] : memref<1000x128xf32, #tpu.memory_space<hbm>> -> memref<1000x128xf32, #tpu.memory_space<hbm>>
    tpu.wait_indirect_dma semaphore(%arg17 : memref<!tpu.dma_semaphore, #tpu.memory_space<semaphore_mem>>) src(%dma_wait3A_89 : memref<1000x128xf32, #tpu.memory_space<hbm>>) dst(%arg13 : memref<64x128xf32, #tpu.memory_space<vmem>>)
    %add3A_90 = arith.constant 64 : i32
    %add3A_91 = arith.addi %mul3A_2, %add3A_90 : i32
    %dma_start3A_92 = arith.constant 0 : i32
    %dma_start3A_93 = tpu.memref_slice %arg7[%add3A_91, %dma_start3A_92] : memref<16384x128xf32, #tpu.memory_space<hbm>> -> memref<64x128xf32, #tpu.memory_space<hbm>>
    %dma_start3A_94 = arith.constant 0 : i32
    %dma_start3A_95 = tpu.memref_slice %arg7[%add3A_91, %dma_start3A_94] : memref<16384x128xf32, #tpu.memory_space<hbm>> -> memref<64x128xf32, #tpu.memory_space<hbm>>
    tpu.enqueue_dma source(%arg13 : memref<64x128xf32, #tpu.memory_space<vmem>>) target(%dma_start3A_95 : memref<64x128xf32, #tpu.memory_space<hbm>>) target_semaphore(%arg21 : memref<!tpu.dma_semaphore, #tpu.memory_space<semaphore_mem>>)
    %dma_wait3A_96 = arith.constant 0 : i32
    %dma_wait3A_97 = tpu.memref_slice %arg7[%add3A_91, %dma_wait3A_96] : memref<16384x128xf32, #tpu.memory_space<hbm>> -> memref<64x128xf32, #tpu.memory_space<hbm>>
    %dma_wait3A_98 = arith.constant 0 : i32
    %dma_wait3A_99 = tpu.memref_slice %arg7[%add3A_91, %dma_wait3A_98] : memref<16384x128xf32, #tpu.memory_space<hbm>> -> memref<64x128xf32, #tpu.memory_space<hbm>>
    tpu.wait_dma2 semaphore(%arg21 : memref<!tpu.dma_semaphore, #tpu.memory_space<semaphore_mem>>) src(%arg13 : memref<64x128xf32, #tpu.memory_space<vmem>>) dst(%dma_wait3A_99 : memref<64x128xf32, #tpu.memory_space<hbm>>)
    %dma_start3A_100 = arith.constant 192 : i32
    %dma_start3A_101 = tpu.memref_slice %arg9[%dma_start3A_100] : memref<512xi32, #tpu.memory_space<vmem>> -> memref<64xi32, #tpu.memory_space<vmem>>
    %dma_start3A_102 = arith.constant 0 : i32
    %dma_start3A_103 = arith.constant 0 : i32
    %dma_start3A_104 = tpu.memref_slice %arg3[%dma_start3A_102, %dma_start3A_103] : memref<1000x128xf32, #tpu.memory_space<hbm>> -> memref<1000x128xf32, #tpu.memory_space<hbm>>
    tpu.enqueue_indirect_dma source(%dma_start3A_104 : memref<1000x128xf32, #tpu.memory_space<hbm>>) target(%arg13 : memref<64x128xf32, #tpu.memory_space<vmem>>) offsets(%dma_start3A_101 : memref<64xi32, #tpu.memory_space<vmem>>) semaphore(%arg17 : memref<!tpu.dma_semaphore, #tpu.memory_space<semaphore_mem>>)
    %dma_wait3A_105 = arith.constant 128 : i32
    %dma_wait3A_106 = tpu.memref_slice %arg8[%dma_wait3A_105] : memref<512xi32, #tpu.memory_space<vmem>> -> memref<64xi32, #tpu.memory_space<vmem>>
    %dma_wait3A_107 = arith.constant 0 : i32
    %dma_wait3A_108 = arith.constant 0 : i32
    %dma_wait3A_109 = tpu.memref_slice %arg2[%dma_wait3A_107, %dma_wait3A_108] : memref<100000x128xf32, #tpu.memory_space<hbm>> -> memref<100000x128xf32, #tpu.memory_space<hbm>>
    tpu.wait_indirect_dma semaphore(%arg14 : memref<!tpu.dma_semaphore, #tpu.memory_space<semaphore_mem>>) src(%dma_wait3A_109 : memref<100000x128xf32, #tpu.memory_space<hbm>>) dst(%arg10 : memref<64x128xf32, #tpu.memory_space<vmem>>)
    %add3A_110 = arith.constant 128 : i32
    %add3A_111 = arith.addi %mul3A_2, %add3A_110 : i32
    %dma_start3A_112 = arith.constant 0 : i32
    %dma_start3A_113 = tpu.memref_slice %arg6[%add3A_111, %dma_start3A_112] : memref<16384x128xf32, #tpu.memory_space<hbm>> -> memref<64x128xf32, #tpu.memory_space<hbm>>
    %dma_start3A_114 = arith.constant 0 : i32
    %dma_start3A_115 = tpu.memref_slice %arg6[%add3A_111, %dma_start3A_114] : memref<16384x128xf32, #tpu.memory_space<hbm>> -> memref<64x128xf32, #tpu.memory_space<hbm>>
    tpu.enqueue_dma source(%arg10 : memref<64x128xf32, #tpu.memory_space<vmem>>) target(%dma_start3A_115 : memref<64x128xf32, #tpu.memory_space<hbm>>) target_semaphore(%arg18 : memref<!tpu.dma_semaphore, #tpu.memory_space<semaphore_mem>>)
    %dma_wait3A_116 = arith.constant 0 : i32
    %dma_wait3A_117 = tpu.memref_slice %arg6[%add3A_111, %dma_wait3A_116] : memref<16384x128xf32, #tpu.memory_space<hbm>> -> memref<64x128xf32, #tpu.memory_space<hbm>>
    %dma_wait3A_118 = arith.constant 0 : i32
    %dma_wait3A_119 = tpu.memref_slice %arg6[%add3A_111, %dma_wait3A_118] : memref<16384x128xf32, #tpu.memory_space<hbm>> -> memref<64x128xf32, #tpu.memory_space<hbm>>
    tpu.wait_dma2 semaphore(%arg18 : memref<!tpu.dma_semaphore, #tpu.memory_space<semaphore_mem>>) src(%arg10 : memref<64x128xf32, #tpu.memory_space<vmem>>) dst(%dma_wait3A_119 : memref<64x128xf32, #tpu.memory_space<hbm>>)
    %dma_start3A_120 = arith.constant 256 : i32
    %dma_start3A_121 = tpu.memref_slice %arg8[%dma_start3A_120] : memref<512xi32, #tpu.memory_space<vmem>> -> memref<64xi32, #tpu.memory_space<vmem>>
    %dma_start3A_122 = arith.constant 0 : i32
    %dma_start3A_123 = arith.constant 0 : i32
    %dma_start3A_124 = tpu.memref_slice %arg2[%dma_start3A_122, %dma_start3A_123] : memref<100000x128xf32, #tpu.memory_space<hbm>> -> memref<100000x128xf32, #tpu.memory_space<hbm>>
    tpu.enqueue_indirect_dma source(%dma_start3A_124 : memref<100000x128xf32, #tpu.memory_space<hbm>>) target(%arg10 : memref<64x128xf32, #tpu.memory_space<vmem>>) offsets(%dma_start3A_121 : memref<64xi32, #tpu.memory_space<vmem>>) semaphore(%arg14 : memref<!tpu.dma_semaphore, #tpu.memory_space<semaphore_mem>>)
    %dma_wait3A_125 = arith.constant 128 : i32
    %dma_wait3A_126 = tpu.memref_slice %arg9[%dma_wait3A_125] : memref<512xi32, #tpu.memory_space<vmem>> -> memref<64xi32, #tpu.memory_space<vmem>>
    %dma_wait3A_127 = arith.constant 0 : i32
    %dma_wait3A_128 = arith.constant 0 : i32
    %dma_wait3A_129 = tpu.memref_slice %arg3[%dma_wait3A_127, %dma_wait3A_128] : memref<1000x128xf32, #tpu.memory_space<hbm>> -> memref<1000x128xf32, #tpu.memory_space<hbm>>
    tpu.wait_indirect_dma semaphore(%arg15 : memref<!tpu.dma_semaphore, #tpu.memory_space<semaphore_mem>>) src(%dma_wait3A_129 : memref<1000x128xf32, #tpu.memory_space<hbm>>) dst(%arg11 : memref<64x128xf32, #tpu.memory_space<vmem>>)
    %add3A_130 = arith.constant 128 : i32
    %add3A_131 = arith.addi %mul3A_2, %add3A_130 : i32
    %dma_start3A_132 = arith.constant 0 : i32
    %dma_start3A_133 = tpu.memref_slice %arg7[%add3A_131, %dma_start3A_132] : memref<16384x128xf32, #tpu.memory_space<hbm>> -> memref<64x128xf32, #tpu.memory_space<hbm>>
    %dma_start3A_134 = arith.constant 0 : i32
    %dma_start3A_135 = tpu.memref_slice %arg7[%add3A_131, %dma_start3A_134] : memref<16384x128xf32, #tpu.memory_space<hbm>> -> memref<64x128xf32, #tpu.memory_space<hbm>>
    tpu.enqueue_dma source(%arg11 : memref<64x128xf32, #tpu.memory_space<vmem>>) target(%dma_start3A_135 : memref<64x128xf32, #tpu.memory_space<hbm>>) target_semaphore(%arg19 : memref<!tpu.dma_semaphore, #tpu.memory_space<semaphore_mem>>)
    %dma_wait3A_136 = arith.constant 0 : i32
    %dma_wait3A_137 = tpu.memref_slice %arg7[%add3A_131, %dma_wait3A_136] : memref<16384x128xf32, #tpu.memory_space<hbm>> -> memref<64x128xf32, #tpu.memory_space<hbm>>
    %dma_wait3A_138 = arith.constant 0 : i32
    %dma_wait3A_139 = tpu.memref_slice %arg7[%add3A_131, %dma_wait3A_138] : memref<16384x128xf32, #tpu.memory_space<hbm>> -> memref<64x128xf32, #tpu.memory_space<hbm>>
    tpu.wait_dma2 semaphore(%arg19 : memref<!tpu.dma_semaphore, #tpu.memory_space<semaphore_mem>>) src(%arg11 : memref<64x128xf32, #tpu.memory_space<vmem>>) dst(%dma_wait3A_139 : memref<64x128xf32, #tpu.memory_space<hbm>>)
    %dma_start3A_140 = arith.constant 256 : i32
    %dma_start3A_141 = tpu.memref_slice %arg9[%dma_start3A_140] : memref<512xi32, #tpu.memory_space<vmem>> -> memref<64xi32, #tpu.memory_space<vmem>>
    %dma_start3A_142 = arith.constant 0 : i32
    %dma_start3A_143 = arith.constant 0 : i32
    %dma_start3A_144 = tpu.memref_slice %arg3[%dma_start3A_142, %dma_start3A_143] : memref<1000x128xf32, #tpu.memory_space<hbm>> -> memref<1000x128xf32, #tpu.memory_space<hbm>>
    tpu.enqueue_indirect_dma source(%dma_start3A_144 : memref<1000x128xf32, #tpu.memory_space<hbm>>) target(%arg11 : memref<64x128xf32, #tpu.memory_space<vmem>>) offsets(%dma_start3A_141 : memref<64xi32, #tpu.memory_space<vmem>>) semaphore(%arg15 : memref<!tpu.dma_semaphore, #tpu.memory_space<semaphore_mem>>)
    %dma_wait3A_145 = arith.constant 192 : i32
    %dma_wait3A_146 = tpu.memref_slice %arg8[%dma_wait3A_145] : memref<512xi32, #tpu.memory_space<vmem>> -> memref<64xi32, #tpu.memory_space<vmem>>
    %dma_wait3A_147 = arith.constant 0 : i32
    %dma_wait3A_148 = arith.constant 0 : i32
    %dma_wait3A_149 = tpu.memref_slice %arg2[%dma_wait3A_147, %dma_wait3A_148] : memref<100000x128xf32, #tpu.memory_space<hbm>> -> memref<100000x128xf32, #tpu.memory_space<hbm>>
    tpu.wait_indirect_dma semaphore(%arg16 : memref<!tpu.dma_semaphore, #tpu.memory_space<semaphore_mem>>) src(%dma_wait3A_149 : memref<100000x128xf32, #tpu.memory_space<hbm>>) dst(%arg12 : memref<64x128xf32, #tpu.memory_space<vmem>>)
    %add3A_150 = arith.constant 192 : i32
    %add3A_151 = arith.addi %mul3A_2, %add3A_150 : i32
    %dma_start3A_152 = arith.constant 0 : i32
    %dma_start3A_153 = tpu.memref_slice %arg6[%add3A_151, %dma_start3A_152] : memref<16384x128xf32, #tpu.memory_space<hbm>> -> memref<64x128xf32, #tpu.memory_space<hbm>>
    %dma_start3A_154 = arith.constant 0 : i32
    %dma_start3A_155 = tpu.memref_slice %arg6[%add3A_151, %dma_start3A_154] : memref<16384x128xf32, #tpu.memory_space<hbm>> -> memref<64x128xf32, #tpu.memory_space<hbm>>
    tpu.enqueue_dma source(%arg12 : memref<64x128xf32, #tpu.memory_space<vmem>>) target(%dma_start3A_155 : memref<64x128xf32, #tpu.memory_space<hbm>>) target_semaphore(%arg20 : memref<!tpu.dma_semaphore, #tpu.memory_space<semaphore_mem>>)
    %dma_wait3A_156 = arith.constant 0 : i32
    %dma_wait3A_157 = tpu.memref_slice %arg6[%add3A_151, %dma_wait3A_156] : memref<16384x128xf32, #tpu.memory_space<hbm>> -> memref<64x128xf32, #tpu.memory_space<hbm>>
    %dma_wait3A_158 = arith.constant 0 : i32
    %dma_wait3A_159 = tpu.memref_slice %arg6[%add3A_151, %dma_wait3A_158] : memref<16384x128xf32, #tpu.memory_space<hbm>> -> memref<64x128xf32, #tpu.memory_space<hbm>>
    tpu.wait_dma2 semaphore(%arg20 : memref<!tpu.dma_semaphore, #tpu.memory_space<semaphore_mem>>) src(%arg12 : memref<64x128xf32, #tpu.memory_space<vmem>>) dst(%dma_wait3A_159 : memref<64x128xf32, #tpu.memory_space<hbm>>)
    %dma_start3A_160 = arith.constant 320 : i32
    %dma_start3A_161 = tpu.memref_slice %arg8[%dma_start3A_160] : memref<512xi32, #tpu.memory_space<vmem>> -> memref<64xi32, #tpu.memory_space<vmem>>
    %dma_start3A_162 = arith.constant 0 : i32
    %dma_start3A_163 = arith.constant 0 : i32
    %dma_start3A_164 = tpu.memref_slice %arg2[%dma_start3A_162, %dma_start3A_163] : memref<100000x128xf32, #tpu.memory_space<hbm>> -> memref<100000x128xf32, #tpu.memory_space<hbm>>
    tpu.enqueue_indirect_dma source(%dma_start3A_164 : memref<100000x128xf32, #tpu.memory_space<hbm>>) target(%arg12 : memref<64x128xf32, #tpu.memory_space<vmem>>) offsets(%dma_start3A_161 : memref<64xi32, #tpu.memory_space<vmem>>) semaphore(%arg16 : memref<!tpu.dma_semaphore, #tpu.memory_space<semaphore_mem>>)
    %dma_wait3A_165 = arith.constant 192 : i32
    %dma_wait3A_166 = tpu.memref_slice %arg9[%dma_wait3A_165] : memref<512xi32, #tpu.memory_space<vmem>> -> memref<64xi32, #tpu.memory_space<vmem>>
    %dma_wait3A_167 = arith.constant 0 : i32
    %dma_wait3A_168 = arith.constant 0 : i32
    %dma_wait3A_169 = tpu.memref_slice %arg3[%dma_wait3A_167, %dma_wait3A_168] : memref<1000x128xf32, #tpu.memory_space<hbm>> -> memref<1000x128xf32, #tpu.memory_space<hbm>>
    tpu.wait_indirect_dma semaphore(%arg17 : memref<!tpu.dma_semaphore, #tpu.memory_space<semaphore_mem>>) src(%dma_wait3A_169 : memref<1000x128xf32, #tpu.memory_space<hbm>>) dst(%arg13 : memref<64x128xf32, #tpu.memory_space<vmem>>)
    %add3A_170 = arith.constant 192 : i32
    %add3A_171 = arith.addi %mul3A_2, %add3A_170 : i32
    %dma_start3A_172 = arith.constant 0 : i32
    %dma_start3A_173 = tpu.memref_slice %arg7[%add3A_171, %dma_start3A_172] : memref<16384x128xf32, #tpu.memory_space<hbm>> -> memref<64x128xf32, #tpu.memory_space<hbm>>
    %dma_start3A_174 = arith.constant 0 : i32
    %dma_start3A_175 = tpu.memref_slice %arg7[%add3A_171, %dma_start3A_174] : memref<16384x128xf32, #tpu.memory_space<hbm>> -> memref<64x128xf32, #tpu.memory_space<hbm>>
    tpu.enqueue_dma source(%arg13 : memref<64x128xf32, #tpu.memory_space<vmem>>) target(%dma_start3A_175 : memref<64x128xf32, #tpu.memory_space<hbm>>) target_semaphore(%arg21 : memref<!tpu.dma_semaphore, #tpu.memory_space<semaphore_mem>>)
    %dma_wait3A_176 = arith.constant 0 : i32
    %dma_wait3A_177 = tpu.memref_slice %arg7[%add3A_171, %dma_wait3A_176] : memref<16384x128xf32, #tpu.memory_space<hbm>> -> memref<64x128xf32, #tpu.memory_space<hbm>>
    %dma_wait3A_178 = arith.constant 0 : i32
    %dma_wait3A_179 = tpu.memref_slice %arg7[%add3A_171, %dma_wait3A_178] : memref<16384x128xf32, #tpu.memory_space<hbm>> -> memref<64x128xf32, #tpu.memory_space<hbm>>
    tpu.wait_dma2 semaphore(%arg21 : memref<!tpu.dma_semaphore, #tpu.memory_space<semaphore_mem>>) src(%arg13 : memref<64x128xf32, #tpu.memory_space<vmem>>) dst(%dma_wait3A_179 : memref<64x128xf32, #tpu.memory_space<hbm>>)
    %dma_start3A_180 = arith.constant 320 : i32
    %dma_start3A_181 = tpu.memref_slice %arg9[%dma_start3A_180] : memref<512xi32, #tpu.memory_space<vmem>> -> memref<64xi32, #tpu.memory_space<vmem>>
    %dma_start3A_182 = arith.constant 0 : i32
    %dma_start3A_183 = arith.constant 0 : i32
    %dma_start3A_184 = tpu.memref_slice %arg3[%dma_start3A_182, %dma_start3A_183] : memref<1000x128xf32, #tpu.memory_space<hbm>> -> memref<1000x128xf32, #tpu.memory_space<hbm>>
    tpu.enqueue_indirect_dma source(%dma_start3A_184 : memref<1000x128xf32, #tpu.memory_space<hbm>>) target(%arg13 : memref<64x128xf32, #tpu.memory_space<vmem>>) offsets(%dma_start3A_181 : memref<64xi32, #tpu.memory_space<vmem>>) semaphore(%arg17 : memref<!tpu.dma_semaphore, #tpu.memory_space<semaphore_mem>>)
    %dma_wait3A_185 = arith.constant 256 : i32
    %dma_wait3A_186 = tpu.memref_slice %arg8[%dma_wait3A_185] : memref<512xi32, #tpu.memory_space<vmem>> -> memref<64xi32, #tpu.memory_space<vmem>>
    %dma_wait3A_187 = arith.constant 0 : i32
    %dma_wait3A_188 = arith.constant 0 : i32
    %dma_wait3A_189 = tpu.memref_slice %arg2[%dma_wait3A_187, %dma_wait3A_188] : memref<100000x128xf32, #tpu.memory_space<hbm>> -> memref<100000x128xf32, #tpu.memory_space<hbm>>
    tpu.wait_indirect_dma semaphore(%arg14 : memref<!tpu.dma_semaphore, #tpu.memory_space<semaphore_mem>>) src(%dma_wait3A_189 : memref<100000x128xf32, #tpu.memory_space<hbm>>) dst(%arg10 : memref<64x128xf32, #tpu.memory_space<vmem>>)
    %add3A_190 = arith.constant 256 : i32
    %add3A_191 = arith.addi %mul3A_2, %add3A_190 : i32
    %dma_start3A_192 = arith.constant 0 : i32
    %dma_start3A_193 = tpu.memref_slice %arg6[%add3A_191, %dma_start3A_192] : memref<16384x128xf32, #tpu.memory_space<hbm>> -> memref<64x128xf32, #tpu.memory_space<hbm>>
    %dma_start3A_194 = arith.constant 0 : i32
    %dma_start3A_195 = tpu.memref_slice %arg6[%add3A_191, %dma_start3A_194] : memref<16384x128xf32, #tpu.memory_space<hbm>> -> memref<64x128xf32, #tpu.memory_space<hbm>>
    tpu.enqueue_dma source(%arg10 : memref<64x128xf32, #tpu.memory_space<vmem>>) target(%dma_start3A_195 : memref<64x128xf32, #tpu.memory_space<hbm>>) target_semaphore(%arg18 : memref<!tpu.dma_semaphore, #tpu.memory_space<semaphore_mem>>)
    %dma_wait3A_196 = arith.constant 0 : i32
    %dma_wait3A_197 = tpu.memref_slice %arg6[%add3A_191, %dma_wait3A_196] : memref<16384x128xf32, #tpu.memory_space<hbm>> -> memref<64x128xf32, #tpu.memory_space<hbm>>
    %dma_wait3A_198 = arith.constant 0 : i32
    %dma_wait3A_199 = tpu.memref_slice %arg6[%add3A_191, %dma_wait3A_198] : memref<16384x128xf32, #tpu.memory_space<hbm>> -> memref<64x128xf32, #tpu.memory_space<hbm>>
    tpu.wait_dma2 semaphore(%arg18 : memref<!tpu.dma_semaphore, #tpu.memory_space<semaphore_mem>>) src(%arg10 : memref<64x128xf32, #tpu.memory_space<vmem>>) dst(%dma_wait3A_199 : memref<64x128xf32, #tpu.memory_space<hbm>>)
    %dma_start3A_200 = arith.constant 384 : i32
    %dma_start3A_201 = tpu.memref_slice %arg8[%dma_start3A_200] : memref<512xi32, #tpu.memory_space<vmem>> -> memref<64xi32, #tpu.memory_space<vmem>>
    %dma_start3A_202 = arith.constant 0 : i32
    %dma_start3A_203 = arith.constant 0 : i32
    %dma_start3A_204 = tpu.memref_slice %arg2[%dma_start3A_202, %dma_start3A_203] : memref<100000x128xf32, #tpu.memory_space<hbm>> -> memref<100000x128xf32, #tpu.memory_space<hbm>>
    tpu.enqueue_indirect_dma source(%dma_start3A_204 : memref<100000x128xf32, #tpu.memory_space<hbm>>) target(%arg10 : memref<64x128xf32, #tpu.memory_space<vmem>>) offsets(%dma_start3A_201 : memref<64xi32, #tpu.memory_space<vmem>>) semaphore(%arg14 : memref<!tpu.dma_semaphore, #tpu.memory_space<semaphore_mem>>)
    %dma_wait3A_205 = arith.constant 256 : i32
    %dma_wait3A_206 = tpu.memref_slice %arg9[%dma_wait3A_205] : memref<512xi32, #tpu.memory_space<vmem>> -> memref<64xi32, #tpu.memory_space<vmem>>
    %dma_wait3A_207 = arith.constant 0 : i32
    %dma_wait3A_208 = arith.constant 0 : i32
    %dma_wait3A_209 = tpu.memref_slice %arg3[%dma_wait3A_207, %dma_wait3A_208] : memref<1000x128xf32, #tpu.memory_space<hbm>> -> memref<1000x128xf32, #tpu.memory_space<hbm>>
    tpu.wait_indirect_dma semaphore(%arg15 : memref<!tpu.dma_semaphore, #tpu.memory_space<semaphore_mem>>) src(%dma_wait3A_209 : memref<1000x128xf32, #tpu.memory_space<hbm>>) dst(%arg11 : memref<64x128xf32, #tpu.memory_space<vmem>>)
    %add3A_210 = arith.constant 256 : i32
    %add3A_211 = arith.addi %mul3A_2, %add3A_210 : i32
    %dma_start3A_212 = arith.constant 0 : i32
    %dma_start3A_213 = tpu.memref_slice %arg7[%add3A_211, %dma_start3A_212] : memref<16384x128xf32, #tpu.memory_space<hbm>> -> memref<64x128xf32, #tpu.memory_space<hbm>>
    %dma_start3A_214 = arith.constant 0 : i32
    %dma_start3A_215 = tpu.memref_slice %arg7[%add3A_211, %dma_start3A_214] : memref<16384x128xf32, #tpu.memory_space<hbm>> -> memref<64x128xf32, #tpu.memory_space<hbm>>
    tpu.enqueue_dma source(%arg11 : memref<64x128xf32, #tpu.memory_space<vmem>>) target(%dma_start3A_215 : memref<64x128xf32, #tpu.memory_space<hbm>>) target_semaphore(%arg19 : memref<!tpu.dma_semaphore, #tpu.memory_space<semaphore_mem>>)
    %dma_wait3A_216 = arith.constant 0 : i32
    %dma_wait3A_217 = tpu.memref_slice %arg7[%add3A_211, %dma_wait3A_216] : memref<16384x128xf32, #tpu.memory_space<hbm>> -> memref<64x128xf32, #tpu.memory_space<hbm>>
    %dma_wait3A_218 = arith.constant 0 : i32
    %dma_wait3A_219 = tpu.memref_slice %arg7[%add3A_211, %dma_wait3A_218] : memref<16384x128xf32, #tpu.memory_space<hbm>> -> memref<64x128xf32, #tpu.memory_space<hbm>>
    tpu.wait_dma2 semaphore(%arg19 : memref<!tpu.dma_semaphore, #tpu.memory_space<semaphore_mem>>) src(%arg11 : memref<64x128xf32, #tpu.memory_space<vmem>>) dst(%dma_wait3A_219 : memref<64x128xf32, #tpu.memory_space<hbm>>)
    %dma_start3A_220 = arith.constant 384 : i32
    %dma_start3A_221 = tpu.memref_slice %arg9[%dma_start3A_220] : memref<512xi32, #tpu.memory_space<vmem>> -> memref<64xi32, #tpu.memory_space<vmem>>
    %dma_start3A_222 = arith.constant 0 : i32
    %dma_start3A_223 = arith.constant 0 : i32
    %dma_start3A_224 = tpu.memref_slice %arg3[%dma_start3A_222, %dma_start3A_223] : memref<1000x128xf32, #tpu.memory_space<hbm>> -> memref<1000x128xf32, #tpu.memory_space<hbm>>
    tpu.enqueue_indirect_dma source(%dma_start3A_224 : memref<1000x128xf32, #tpu.memory_space<hbm>>) target(%arg11 : memref<64x128xf32, #tpu.memory_space<vmem>>) offsets(%dma_start3A_221 : memref<64xi32, #tpu.memory_space<vmem>>) semaphore(%arg15 : memref<!tpu.dma_semaphore, #tpu.memory_space<semaphore_mem>>)
    %dma_wait3A_225 = arith.constant 320 : i32
    %dma_wait3A_226 = tpu.memref_slice %arg8[%dma_wait3A_225] : memref<512xi32, #tpu.memory_space<vmem>> -> memref<64xi32, #tpu.memory_space<vmem>>
    %dma_wait3A_227 = arith.constant 0 : i32
    %dma_wait3A_228 = arith.constant 0 : i32
    %dma_wait3A_229 = tpu.memref_slice %arg2[%dma_wait3A_227, %dma_wait3A_228] : memref<100000x128xf32, #tpu.memory_space<hbm>> -> memref<100000x128xf32, #tpu.memory_space<hbm>>
    tpu.wait_indirect_dma semaphore(%arg16 : memref<!tpu.dma_semaphore, #tpu.memory_space<semaphore_mem>>) src(%dma_wait3A_229 : memref<100000x128xf32, #tpu.memory_space<hbm>>) dst(%arg12 : memref<64x128xf32, #tpu.memory_space<vmem>>)
    %add3A_230 = arith.constant 320 : i32
    %add3A_231 = arith.addi %mul3A_2, %add3A_230 : i32
    %dma_start3A_232 = arith.constant 0 : i32
    %dma_start3A_233 = tpu.memref_slice %arg6[%add3A_231, %dma_start3A_232] : memref<16384x128xf32, #tpu.memory_space<hbm>> -> memref<64x128xf32, #tpu.memory_space<hbm>>
    %dma_start3A_234 = arith.constant 0 : i32
    %dma_start3A_235 = tpu.memref_slice %arg6[%add3A_231, %dma_start3A_234] : memref<16384x128xf32, #tpu.memory_space<hbm>> -> memref<64x128xf32, #tpu.memory_space<hbm>>
    tpu.enqueue_dma source(%arg12 : memref<64x128xf32, #tpu.memory_space<vmem>>) target(%dma_start3A_235 : memref<64x128xf32, #tpu.memory_space<hbm>>) target_semaphore(%arg20 : memref<!tpu.dma_semaphore, #tpu.memory_space<semaphore_mem>>)
    %dma_wait3A_236 = arith.constant 0 : i32
    %dma_wait3A_237 = tpu.memref_slice %arg6[%add3A_231, %dma_wait3A_236] : memref<16384x128xf32, #tpu.memory_space<hbm>> -> memref<64x128xf32, #tpu.memory_space<hbm>>
    %dma_wait3A_238 = arith.constant 0 : i32
    %dma_wait3A_239 = tpu.memref_slice %arg6[%add3A_231, %dma_wait3A_238] : memref<16384x128xf32, #tpu.memory_space<hbm>> -> memref<64x128xf32, #tpu.memory_space<hbm>>
    tpu.wait_dma2 semaphore(%arg20 : memref<!tpu.dma_semaphore, #tpu.memory_space<semaphore_mem>>) src(%arg12 : memref<64x128xf32, #tpu.memory_space<vmem>>) dst(%dma_wait3A_239 : memref<64x128xf32, #tpu.memory_space<hbm>>)
    %dma_start3A_240 = arith.constant 448 : i32
    %dma_start3A_241 = tpu.memref_slice %arg8[%dma_start3A_240] : memref<512xi32, #tpu.memory_space<vmem>> -> memref<64xi32, #tpu.memory_space<vmem>>
    %dma_start3A_242 = arith.constant 0 : i32
    %dma_start3A_243 = arith.constant 0 : i32
    %dma_start3A_244 = tpu.memref_slice %arg2[%dma_start3A_242, %dma_start3A_243] : memref<100000x128xf32, #tpu.memory_space<hbm>> -> memref<100000x128xf32, #tpu.memory_space<hbm>>
    tpu.enqueue_indirect_dma source(%dma_start3A_244 : memref<100000x128xf32, #tpu.memory_space<hbm>>) target(%arg12 : memref<64x128xf32, #tpu.memory_space<vmem>>) offsets(%dma_start3A_241 : memref<64xi32, #tpu.memory_space<vmem>>) semaphore(%arg16 : memref<!tpu.dma_semaphore, #tpu.memory_space<semaphore_mem>>)
    %dma_wait3A_245 = arith.constant 320 : i32
    %dma_wait3A_246 = tpu.memref_slice %arg9[%dma_wait3A_245] : memref<512xi32, #tpu.memory_space<vmem>> -> memref<64xi32, #tpu.memory_space<vmem>>
    %dma_wait3A_247 = arith.constant 0 : i32
    %dma_wait3A_248 = arith.constant 0 : i32
    %dma_wait3A_249 = tpu.memref_slice %arg3[%dma_wait3A_247, %dma_wait3A_248] : memref<1000x128xf32, #tpu.memory_space<hbm>> -> memref<1000x128xf32, #tpu.memory_space<hbm>>
    tpu.wait_indirect_dma semaphore(%arg17 : memref<!tpu.dma_semaphore, #tpu.memory_space<semaphore_mem>>) src(%dma_wait3A_249 : memref<1000x128xf32, #tpu.memory_space<hbm>>) dst(%arg13 : memref<64x128xf32, #tpu.memory_space<vmem>>)
    %add3A_250 = arith.constant 320 : i32
    %add3A_251 = arith.addi %mul3A_2, %add3A_250 : i32
    %dma_start3A_252 = arith.constant 0 : i32
    %dma_start3A_253 = tpu.memref_slice %arg7[%add3A_251, %dma_start3A_252] : memref<16384x128xf32, #tpu.memory_space<hbm>> -> memref<64x128xf32, #tpu.memory_space<hbm>>
    %dma_start3A_254 = arith.constant 0 : i32
    %dma_start3A_255 = tpu.memref_slice %arg7[%add3A_251, %dma_start3A_254] : memref<16384x128xf32, #tpu.memory_space<hbm>> -> memref<64x128xf32, #tpu.memory_space<hbm>>
    tpu.enqueue_dma source(%arg13 : memref<64x128xf32, #tpu.memory_space<vmem>>) target(%dma_start3A_255 : memref<64x128xf32, #tpu.memory_space<hbm>>) target_semaphore(%arg21 : memref<!tpu.dma_semaphore, #tpu.memory_space<semaphore_mem>>)
    %dma_wait3A_256 = arith.constant 0 : i32
    %dma_wait3A_257 = tpu.memref_slice %arg7[%add3A_251, %dma_wait3A_256] : memref<16384x128xf32, #tpu.memory_space<hbm>> -> memref<64x128xf32, #tpu.memory_space<hbm>>
    %dma_wait3A_258 = arith.constant 0 : i32
    %dma_wait3A_259 = tpu.memref_slice %arg7[%add3A_251, %dma_wait3A_258] : memref<16384x128xf32, #tpu.memory_space<hbm>> -> memref<64x128xf32, #tpu.memory_space<hbm>>
    tpu.wait_dma2 semaphore(%arg21 : memref<!tpu.dma_semaphore, #tpu.memory_space<semaphore_mem>>) src(%arg13 : memref<64x128xf32, #tpu.memory_space<vmem>>) dst(%dma_wait3A_259 : memref<64x128xf32, #tpu.memory_space<hbm>>)
    %dma_start3A_260 = arith.constant 448 : i32
    %dma_start3A_261 = tpu.memref_slice %arg9[%dma_start3A_260] : memref<512xi32, #tpu.memory_space<vmem>> -> memref<64xi32, #tpu.memory_space<vmem>>
    %dma_start3A_262 = arith.constant 0 : i32
    %dma_start3A_263 = arith.constant 0 : i32
    %dma_start3A_264 = tpu.memref_slice %arg3[%dma_start3A_262, %dma_start3A_263] : memref<1000x128xf32, #tpu.memory_space<hbm>> -> memref<1000x128xf32, #tpu.memory_space<hbm>>
    tpu.enqueue_indirect_dma source(%dma_start3A_264 : memref<1000x128xf32, #tpu.memory_space<hbm>>) target(%arg13 : memref<64x128xf32, #tpu.memory_space<vmem>>) offsets(%dma_start3A_261 : memref<64xi32, #tpu.memory_space<vmem>>) semaphore(%arg17 : memref<!tpu.dma_semaphore, #tpu.memory_space<semaphore_mem>>)
    %dma_wait3A_265 = arith.constant 384 : i32
    %dma_wait3A_266 = tpu.memref_slice %arg8[%dma_wait3A_265] : memref<512xi32, #tpu.memory_space<vmem>> -> memref<64xi32, #tpu.memory_space<vmem>>
    %dma_wait3A_267 = arith.constant 0 : i32
    %dma_wait3A_268 = arith.constant 0 : i32
    %dma_wait3A_269 = tpu.memref_slice %arg2[%dma_wait3A_267, %dma_wait3A_268] : memref<100000x128xf32, #tpu.memory_space<hbm>> -> memref<100000x128xf32, #tpu.memory_space<hbm>>
    tpu.wait_indirect_dma semaphore(%arg14 : memref<!tpu.dma_semaphore, #tpu.memory_space<semaphore_mem>>) src(%dma_wait3A_269 : memref<100000x128xf32, #tpu.memory_space<hbm>>) dst(%arg10 : memref<64x128xf32, #tpu.memory_space<vmem>>)
    %add3A_270 = arith.constant 384 : i32
    %add3A_271 = arith.addi %mul3A_2, %add3A_270 : i32
    %dma_start3A_272 = arith.constant 0 : i32
    %dma_start3A_273 = tpu.memref_slice %arg6[%add3A_271, %dma_start3A_272] : memref<16384x128xf32, #tpu.memory_space<hbm>> -> memref<64x128xf32, #tpu.memory_space<hbm>>
    %dma_start3A_274 = arith.constant 0 : i32
    %dma_start3A_275 = tpu.memref_slice %arg6[%add3A_271, %dma_start3A_274] : memref<16384x128xf32, #tpu.memory_space<hbm>> -> memref<64x128xf32, #tpu.memory_space<hbm>>
    tpu.enqueue_dma source(%arg10 : memref<64x128xf32, #tpu.memory_space<vmem>>) target(%dma_start3A_275 : memref<64x128xf32, #tpu.memory_space<hbm>>) target_semaphore(%arg18 : memref<!tpu.dma_semaphore, #tpu.memory_space<semaphore_mem>>)
    %dma_wait3A_276 = arith.constant 384 : i32
    %dma_wait3A_277 = tpu.memref_slice %arg9[%dma_wait3A_276] : memref<512xi32, #tpu.memory_space<vmem>> -> memref<64xi32, #tpu.memory_space<vmem>>
    %dma_wait3A_278 = arith.constant 0 : i32
    %dma_wait3A_279 = arith.constant 0 : i32
    %dma_wait3A_280 = tpu.memref_slice %arg3[%dma_wait3A_278, %dma_wait3A_279] : memref<1000x128xf32, #tpu.memory_space<hbm>> -> memref<1000x128xf32, #tpu.memory_space<hbm>>
    tpu.wait_indirect_dma semaphore(%arg15 : memref<!tpu.dma_semaphore, #tpu.memory_space<semaphore_mem>>) src(%dma_wait3A_280 : memref<1000x128xf32, #tpu.memory_space<hbm>>) dst(%arg11 : memref<64x128xf32, #tpu.memory_space<vmem>>)
    %add3A_281 = arith.constant 384 : i32
    %add3A_282 = arith.addi %mul3A_2, %add3A_281 : i32
    %dma_start3A_283 = arith.constant 0 : i32
    %dma_start3A_284 = tpu.memref_slice %arg7[%add3A_282, %dma_start3A_283] : memref<16384x128xf32, #tpu.memory_space<hbm>> -> memref<64x128xf32, #tpu.memory_space<hbm>>
    %dma_start3A_285 = arith.constant 0 : i32
    %dma_start3A_286 = tpu.memref_slice %arg7[%add3A_282, %dma_start3A_285] : memref<16384x128xf32, #tpu.memory_space<hbm>> -> memref<64x128xf32, #tpu.memory_space<hbm>>
    tpu.enqueue_dma source(%arg11 : memref<64x128xf32, #tpu.memory_space<vmem>>) target(%dma_start3A_286 : memref<64x128xf32, #tpu.memory_space<hbm>>) target_semaphore(%arg19 : memref<!tpu.dma_semaphore, #tpu.memory_space<semaphore_mem>>)
    %dma_wait3A_287 = arith.constant 448 : i32
    %dma_wait3A_288 = tpu.memref_slice %arg8[%dma_wait3A_287] : memref<512xi32, #tpu.memory_space<vmem>> -> memref<64xi32, #tpu.memory_space<vmem>>
    %dma_wait3A_289 = arith.constant 0 : i32
    %dma_wait3A_290 = arith.constant 0 : i32
    %dma_wait3A_291 = tpu.memref_slice %arg2[%dma_wait3A_289, %dma_wait3A_290] : memref<100000x128xf32, #tpu.memory_space<hbm>> -> memref<100000x128xf32, #tpu.memory_space<hbm>>
    tpu.wait_indirect_dma semaphore(%arg16 : memref<!tpu.dma_semaphore, #tpu.memory_space<semaphore_mem>>) src(%dma_wait3A_291 : memref<100000x128xf32, #tpu.memory_space<hbm>>) dst(%arg12 : memref<64x128xf32, #tpu.memory_space<vmem>>)
    %add3A_292 = arith.constant 448 : i32
    %add3A_293 = arith.addi %mul3A_2, %add3A_292 : i32
    %dma_start3A_294 = arith.constant 0 : i32
    %dma_start3A_295 = tpu.memref_slice %arg6[%add3A_293, %dma_start3A_294] : memref<16384x128xf32, #tpu.memory_space<hbm>> -> memref<64x128xf32, #tpu.memory_space<hbm>>
    %dma_start3A_296 = arith.constant 0 : i32
    %dma_start3A_297 = tpu.memref_slice %arg6[%add3A_293, %dma_start3A_296] : memref<16384x128xf32, #tpu.memory_space<hbm>> -> memref<64x128xf32, #tpu.memory_space<hbm>>
    tpu.enqueue_dma source(%arg12 : memref<64x128xf32, #tpu.memory_space<vmem>>) target(%dma_start3A_297 : memref<64x128xf32, #tpu.memory_space<hbm>>) target_semaphore(%arg20 : memref<!tpu.dma_semaphore, #tpu.memory_space<semaphore_mem>>)
    %dma_wait3A_298 = arith.constant 448 : i32
    %dma_wait3A_299 = tpu.memref_slice %arg9[%dma_wait3A_298] : memref<512xi32, #tpu.memory_space<vmem>> -> memref<64xi32, #tpu.memory_space<vmem>>
    %dma_wait3A_300 = arith.constant 0 : i32
    %dma_wait3A_301 = arith.constant 0 : i32
    %dma_wait3A_302 = tpu.memref_slice %arg3[%dma_wait3A_300, %dma_wait3A_301] : memref<1000x128xf32, #tpu.memory_space<hbm>> -> memref<1000x128xf32, #tpu.memory_space<hbm>>
    tpu.wait_indirect_dma semaphore(%arg17 : memref<!tpu.dma_semaphore, #tpu.memory_space<semaphore_mem>>) src(%dma_wait3A_302 : memref<1000x128xf32, #tpu.memory_space<hbm>>) dst(%arg13 : memref<64x128xf32, #tpu.memory_space<vmem>>)
    %add3A_303 = arith.constant 448 : i32
    %add3A_304 = arith.addi %mul3A_2, %add3A_303 : i32
    %dma_start3A_305 = arith.constant 0 : i32
    %dma_start3A_306 = tpu.memref_slice %arg7[%add3A_304, %dma_start3A_305] : memref<16384x128xf32, #tpu.memory_space<hbm>> -> memref<64x128xf32, #tpu.memory_space<hbm>>
    %dma_start3A_307 = arith.constant 0 : i32
    %dma_start3A_308 = tpu.memref_slice %arg7[%add3A_304, %dma_start3A_307] : memref<16384x128xf32, #tpu.memory_space<hbm>> -> memref<64x128xf32, #tpu.memory_space<hbm>>
    tpu.enqueue_dma source(%arg13 : memref<64x128xf32, #tpu.memory_space<vmem>>) target(%dma_start3A_308 : memref<64x128xf32, #tpu.memory_space<hbm>>) target_semaphore(%arg21 : memref<!tpu.dma_semaphore, #tpu.memory_space<semaphore_mem>>)
    %dma_wait3A_309 = arith.constant 0 : i32
    %dma_wait3A_310 = tpu.memref_slice %arg6[%add3A_271, %dma_wait3A_309] : memref<16384x128xf32, #tpu.memory_space<hbm>> -> memref<64x128xf32, #tpu.memory_space<hbm>>
    %dma_wait3A_311 = arith.constant 0 : i32
    %dma_wait3A_312 = tpu.memref_slice %arg6[%add3A_271, %dma_wait3A_311] : memref<16384x128xf32, #tpu.memory_space<hbm>> -> memref<64x128xf32, #tpu.memory_space<hbm>>
    tpu.wait_dma2 semaphore(%arg18 : memref<!tpu.dma_semaphore, #tpu.memory_space<semaphore_mem>>) src(%arg10 : memref<64x128xf32, #tpu.memory_space<vmem>>) dst(%dma_wait3A_312 : memref<64x128xf32, #tpu.memory_space<hbm>>)
    %dma_wait3A_313 = arith.constant 0 : i32
    %dma_wait3A_314 = tpu.memref_slice %arg7[%add3A_282, %dma_wait3A_313] : memref<16384x128xf32, #tpu.memory_space<hbm>> -> memref<64x128xf32, #tpu.memory_space<hbm>>
    %dma_wait3A_315 = arith.constant 0 : i32
    %dma_wait3A_316 = tpu.memref_slice %arg7[%add3A_282, %dma_wait3A_315] : memref<16384x128xf32, #tpu.memory_space<hbm>> -> memref<64x128xf32, #tpu.memory_space<hbm>>
    tpu.wait_dma2 semaphore(%arg19 : memref<!tpu.dma_semaphore, #tpu.memory_space<semaphore_mem>>) src(%arg11 : memref<64x128xf32, #tpu.memory_space<vmem>>) dst(%dma_wait3A_316 : memref<64x128xf32, #tpu.memory_space<hbm>>)
    %dma_wait3A_317 = arith.constant 0 : i32
    %dma_wait3A_318 = tpu.memref_slice %arg6[%add3A_293, %dma_wait3A_317] : memref<16384x128xf32, #tpu.memory_space<hbm>> -> memref<64x128xf32, #tpu.memory_space<hbm>>
    %dma_wait3A_319 = arith.constant 0 : i32
    %dma_wait3A_320 = tpu.memref_slice %arg6[%add3A_293, %dma_wait3A_319] : memref<16384x128xf32, #tpu.memory_space<hbm>> -> memref<64x128xf32, #tpu.memory_space<hbm>>
    tpu.wait_dma2 semaphore(%arg20 : memref<!tpu.dma_semaphore, #tpu.memory_space<semaphore_mem>>) src(%arg12 : memref<64x128xf32, #tpu.memory_space<vmem>>) dst(%dma_wait3A_320 : memref<64x128xf32, #tpu.memory_space<hbm>>)
    %dma_wait3A_321 = arith.constant 0 : i32
    %dma_wait3A_322 = tpu.memref_slice %arg7[%add3A_304, %dma_wait3A_321] : memref<16384x128xf32, #tpu.memory_space<hbm>> -> memref<64x128xf32, #tpu.memory_space<hbm>>
    %dma_wait3A_323 = arith.constant 0 : i32
    %dma_wait3A_324 = tpu.memref_slice %arg7[%add3A_304, %dma_wait3A_323] : memref<16384x128xf32, #tpu.memory_space<hbm>> -> memref<64x128xf32, #tpu.memory_space<hbm>>
    tpu.wait_dma2 semaphore(%arg21 : memref<!tpu.dma_semaphore, #tpu.memory_space<semaphore_mem>>) src(%arg13 : memref<64x128xf32, #tpu.memory_space<vmem>>) dst(%dma_wait3A_324 : memref<64x128xf32, #tpu.memory_space<hbm>>)
    return
  }
}

module attributes {stable_mosaic.version = 14 : i64} {
  func.func @_mlp_body(%arg0: i32, %arg1: memref<4096x128xf32, #tpu.memory_space<vmem>>, %arg2: memref<4096x128xf32, #tpu.memory_space<vmem>>, %arg3: memref<128x64xf32, #tpu.memory_space<vmem>>, %arg4: memref<128x64xf32, #tpu.memory_space<vmem>>, %arg5: memref<1x64xf32, #tpu.memory_space<vmem>>, %arg6: memref<64x1xf32, #tpu.memory_space<vmem>>, %arg7: memref<1xf32, #tpu.memory_space<smem>>, %arg8: memref<4096xf32, #tpu.memory_space<vmem>>) attributes {dimension_semantics = [#tpu.dimension_semantics<arbitrary>], iteration_bounds = array<i64: 4>, scalar_prefetch = 0 : i64, scratch_operands = 0 : i64, tpu.core_type = #tpu.core_type<tc>, window_params = [{transform_indices = @transform_0, window_bounds = array<i64: 4096, 128>}, {transform_indices = @transform_1, window_bounds = array<i64: 4096, 128>}, {transform_indices = @transform_2, window_bounds = array<i64: 128, 64>}, {transform_indices = @transform_3, window_bounds = array<i64: 128, 64>}, {pipeline_mode = #tpu.pipeline_mode<synchronous>, transform_indices = @transform_4, window_bounds = array<i64: 1, 64>}, {pipeline_mode = #tpu.pipeline_mode<synchronous>, transform_indices = @transform_5, window_bounds = array<i64: 64, 1>}, {transform_indices = @transform_6, window_bounds = array<i64: 1>}, {transform_indices = @transform_7, window_bounds = array<i64: 4096>}]} {
    %get3A = arith.constant 0 : index
    %get3A_0 = arith.constant 0 : index
    %get3A_1 = vector.load %arg1[%get3A, %get3A_0] : memref<4096x128xf32, #tpu.memory_space<vmem>>, vector<4096x128xf32>
    %convert_element_type3A = arith.truncf %get3A_1 : vector<4096x128xf32> to vector<4096x128xbf16>
    %get3A_2 = arith.constant 0 : index
    %get3A_3 = arith.constant 0 : index
    %get3A_4 = vector.load %arg3[%get3A_2, %get3A_3] : memref<128x64xf32, #tpu.memory_space<vmem>>, vector<128x64xf32>
    %convert_element_type3A_5 = arith.truncf %get3A_4 : vector<128x64xf32> to vector<128x64xbf16>
    %dot_general3A = arith.constant dense<0.000000e+00> : vector<4096x64xf32>
    %dot_general3A_6 = tpu.matmul %convert_element_type3A, %convert_element_type3A_5, %dot_general3A {dimension_numbers = #tpu.dot_dimension_numbers<[1], [0], [0], [1], [0, 0, 1, 1], [], []>, transpose_lhs_hint = false} : vector<4096x128xbf16>, vector<128x64xbf16>, vector<4096x64xf32> -> vector<4096x64xf32>
    %get3A_7 = arith.constant 0 : index
    %get3A_8 = arith.constant 0 : index
    %get3A_9 = vector.load %arg2[%get3A_7, %get3A_8] : memref<4096x128xf32, #tpu.memory_space<vmem>>, vector<4096x128xf32>
    %convert_element_type3A_10 = arith.truncf %get3A_9 : vector<4096x128xf32> to vector<4096x128xbf16>
    %get3A_11 = arith.constant 0 : index
    %get3A_12 = arith.constant 0 : index
    %get3A_13 = vector.load %arg4[%get3A_11, %get3A_12] : memref<128x64xf32, #tpu.memory_space<vmem>>, vector<128x64xf32>
    %convert_element_type3A_14 = arith.truncf %get3A_13 : vector<128x64xf32> to vector<128x64xbf16>
    %dot_general3A_15 = arith.constant dense<0.000000e+00> : vector<4096x64xf32>
    %dot_general3A_16 = tpu.matmul %convert_element_type3A_10, %convert_element_type3A_14, %dot_general3A_15 {dimension_numbers = #tpu.dot_dimension_numbers<[1], [0], [0], [1], [0, 0, 1, 1], [], []>, transpose_lhs_hint = false} : vector<4096x128xbf16>, vector<128x64xbf16>, vector<4096x64xf32> -> vector<4096x64xf32>
    %add3A = arith.addf %dot_general3A_6, %dot_general3A_16 : vector<4096x64xf32>
    %get3A_17 = arith.constant 0 : index
    %get3A_18 = arith.constant 0 : index
    %get3A_19 = vector.load %arg5[%get3A_17, %get3A_18] : memref<1x64xf32, #tpu.memory_space<vmem>>, vector<1x64xf32>
    %add3A_20 = vector.broadcast %get3A_19 : vector<1x64xf32> to vector<4096x64xf32>
    %add3A_21 = arith.addf %add3A, %add3A_20 : vector<4096x64xf32>
    %max3A = arith.constant 0.000000e+00 : f32
    %max3A_22 = vector.broadcast %max3A : f32 to vector<4096x64xf32>
    %max3A_23 = arith.maximumf %add3A_21, %max3A_22 : vector<4096x64xf32>
    %get3A_24 = arith.constant 0 : index
    %get3A_25 = arith.constant 0 : index
    %get3A_26 = vector.load %arg6[%get3A_24, %get3A_25] : memref<64x1xf32, #tpu.memory_space<vmem>>, vector<64x1xf32>
    %dot_general3A_27 = arith.constant dense<0.000000e+00> : vector<4096x1xf32>
    %dot_general3A_28 = tpu.matmul %max3A_23, %get3A_26, %dot_general3A_27 {dimension_numbers = #tpu.dot_dimension_numbers<[1], [0], [0], [1], [0, 0, 1, 1], [], []>, transpose_lhs_hint = false} : vector<4096x64xf32>, vector<64x1xf32>, vector<4096x1xf32> -> vector<4096x1xf32>
    %squeeze3A = vector.shape_cast %dot_general3A_28 : vector<4096x1xf32> to vector<4096xf32>
    %get3A_29 = arith.constant 0 : index
    %get3A_30 = memref.load %arg7[%get3A_29] : memref<1xf32, #tpu.memory_space<smem>>
    %add3A_31 = vector.broadcast %get3A_30 : f32 to vector<4096xf32>
    %add3A_32 = arith.addf %squeeze3A, %add3A_31 : vector<4096xf32>
    %logistic3A = arith.negf %add3A_32 : vector<4096xf32>
    %logistic3A_33 = math.exp %logistic3A : vector<4096xf32>
    %logistic3A_34 = arith.constant 1.000000e+00 : f32
    %logistic3A_35 = vector.broadcast %logistic3A_34 : f32 to vector<4096xf32>
    %logistic3A_36 = arith.addf %logistic3A_35, %logistic3A_33 : vector<4096xf32>
    %logistic3A_37 = arith.divf %logistic3A_35, %logistic3A_36 : vector<4096xf32>
    %mul3A = arith.constant 5.000000e+00 : f32
    %mul3A_38 = vector.broadcast %mul3A : f32 to vector<4096xf32>
    %mul3A_39 = arith.mulf %mul3A_38, %logistic3A_37 : vector<4096xf32>
    %swap3A = arith.constant 0 : index
    %swap3A_40 = vector.load %arg8[%swap3A] : memref<4096xf32, #tpu.memory_space<vmem>>, vector<4096xf32>
    tpu.vector_store %arg8[%swap3A], %mul3A_39 {strides = array<i32>} : memref<4096xf32, #tpu.memory_space<vmem>>, vector<4096xf32>,
    return
  }
  func.func @transform_0(%arg0: i32) -> (i32, i32) {
    %c0_i32 = arith.constant 0 : i32
    %c0_i32_0 = arith.constant 0 : i32
    return %arg0, %c0_i32 : i32, i32
  }
  func.func @transform_1(%arg0: i32) -> (i32, i32) {
    %c0_i32 = arith.constant 0 : i32
    %c0_i32_0 = arith.constant 0 : i32
    return %arg0, %c0_i32 : i32, i32
  }
  func.func @transform_2(%arg0: i32) -> (i32, i32) {
    %c0_i32 = arith.constant 0 : i32
    %c0_i32_0 = arith.constant 0 : i32
    %c0_i32_1 = arith.constant 0 : i32
    return %c0_i32, %c0_i32_0 : i32, i32
  }
  func.func @transform_3(%arg0: i32) -> (i32, i32) {
    %c1_i32 = arith.constant 1 : i32
    %c0_i32 = arith.constant 0 : i32
    %c0_i32_0 = arith.constant 0 : i32
    return %c1_i32, %c0_i32 : i32, i32
  }
  func.func @transform_4(%arg0: i32) -> (i32, i32) {
    %c0_i32 = arith.constant 0 : i32
    %c0_i32_0 = arith.constant 0 : i32
    %c0_i32_1 = arith.constant 0 : i32
    return %c0_i32, %c0_i32_0 : i32, i32
  }
  func.func @transform_5(%arg0: i32) -> (i32, i32) {
    %c0_i32 = arith.constant 0 : i32
    %c0_i32_0 = arith.constant 0 : i32
    %c0_i32_1 = arith.constant 0 : i32
    return %c0_i32, %c0_i32_0 : i32, i32
  }
  func.func @transform_6(%arg0: i32) -> i32 {
    %c0_i32 = arith.constant 0 : i32
    %c0_i32_0 = arith.constant 0 : i32
    return %c0_i32 : i32
  }
  func.func @transform_7(%arg0: i32) -> i32 {
    %c0_i32 = arith.constant 0 : i32
    return %arg0 : i32
  }
}

</mosaic_0001>

<sc_bundles>
// kernel: kernel.4.cloned.1.call-start
scs
__scs_entry_jumppad:
0x0: {  	(pc) =	sbr.rel $0x88, $3  }
0x1: {  	(tag) =	ssettag $0x0;
	lr =	simm.s32 $0x1  }
0x2: {  	[smem:$0x3F99] =	sst lr;
	_ =	strace $0xD0000000  }
0x3: {  	_ = 	snop  }
0x4: {  	_ = 	snop  }
0x5: {  	_ = 	snop  }
0x6: {  	_ = 	snop  }
0x7: {  	_ = 	snop  }
__scs_overlays_trampoline_lowered:
0x8: {  	[smem:$0x3FA8] =	sst s0  }
0x9: {  	[smem:$0x3FA9] =	sst s1  }
0xa: {  	[smem:$0x3FAA] =	sst s2  }
0xb: {  	[smem:$0x3FAB] =	sst s3  }
0xc: {  	[smem:$0x3FAC] =	sst s4  }
0xd: {  	[smem:$0x3FAD] =	sst s5  }
0xe: {  	[smem:$0x3FAE] =	sst s6  }
0xf: {  	[smem:$0x3FAF] =	sst s7  }
0x10: {  	[smem:$0x3FB0] =	sst s8  }
0x11: {  	[smem:$0x3FB1] =	sst s9;
	s0 =	simm.s32 @!p0 $0x0  }
0x12: {  	s1 =	sld [smem:$0x3F97];
	s0 =	simm.s32 @p0 $0x1  }
0x13: {  	[smem:$0x3FB2] =	sst s0;
	s0 =	simm.s32 @!p1 $0x0  }
0x14: {  	s2 =	sld [smem:$0x3F96];
	s0 =	simm.s32 @p1 $0x1  }
0x15: {  	[smem:$0x3FB3] =	sst s0;
	s0 =	simm.s32 @!p2 $0x0  }
0x16: {  	s3 =	sld [smem:$0x3FDB];
	s0 =	simm.s32 @p2 $0x1  }
0x17: {  	s4 =	simm.s32 $0x1BF5;
	[smem:$0x3FB5] =	sst s0  }
0x18: {  	s0 =	sld [smem:$0x3F98];
	_ =	swait.ge [sflag:s4], $0x0  }
0x19: {  	s7 =	sld [smem:$0x3F99]  }
0x1a: {  	s8 =	sadd.s32 $0xFFFFE003, lr  }
0x1b: {  	s9 =	sadd.s32 $0xFFFFFEF7, lr;
	s5 =	simm.s32 $0xFFFFFFFF;
	p2 =	slt.u32 s8, $0xFFFFF086  }
0x1c: {  	p1 =	slt.u32 s9, $0xF7A;
	s5 =	simm.s32 @!p2 $0x0  }
0x1d: {  	s5 =	simm.s32 @p1 $0x1;
	p0 =	seq.s32 s7, s2  }
0x1e: {  	s7 =	smul.u32 @!p0 $0xF7A, s2;
	p2 =	seq.s32 @!p0 s5, $0x0  }
0x1f: {  	s9 =	smul.u32 $0xF7A, s1;
	s8 =	simm.s32 @!p0 $0x1BF5;
	p2 =	por !p2, p0  }
0x20: {  	[sflag:s8] =	ssyncset.s32 @!p0 $0xFFFFF086;
	s6 =	sadd.s32 @!p0 s3, s7;
	s7 =	simm.s32 @!p0 $0x108  }
0x21: {  	s3 =	sadd.s32 s3, s9;
	s6 =	sadd.s32 @!p0 $0x88, s6;
	s7 =	simm.s32 @p2 $0x1082  }
0x22: {  	[simem:s7], [sflag:s8] =	dma.local @!p0 [hbm:s6], $0xF7A  }
0x23: {  	s9 =	sor.u32 $0xD0000000, s2;
	s6 =	simm.s32 $0x108;
	_ =	swait.ge @!p0 [sflag:s8], $0x0  }
0x24: {  	s3 =	sadd.s32 $0x88, s3;
	s6 =	simm.s32 @!p1 $0x1082;
	[sflag:s4] =	ssyncset.s32 $0xFFFFF086  }
0x25: {  	[simem:s6], [sflag:s4] =	dma.local [hbm:s3], $0xF7A  }
0x26: {  	[smem:$0x3F99] =	sst s1;
	(tag) =	ssettag s2;
	_ =	strace s9  }
0x27: {  	s1 =	sld [smem:$0x3FA9]  }
0x28: {  	s2 =	sld [smem:$0x3FAA]  }
0x29: {  	s4 =	sld [smem:$0x3FAC]  }
0x2a: {  	p0 =	seq.s32 s5, $0x0;
	s5 =	sld [smem:$0x3FAD]  }
0x2b: {  	s6 =	sld [smem:$0x3FAE]  }
0x2c: {  	s7 =	sld [smem:$0x3FAF]  }
0x2d: {  	s3 =	simm.s32 $0x108;
	s8 =	sld [smem:$0x3FB0]  }
0x2e: {  	s3 =	simm.s32 @!p0 $0x1082;
	s9 =	sld [smem:$0x3FB1]  }
0x2f: {  	lr =	sadd.s32 s0, s3;
	s0 =	sld [smem:$0x3FA8]  }
0x30: {  	s3 =	sld [smem:$0x3FAB]  }
0x31: {  	[smem:$0x3FB4] =	sst s10  }
0x32: {  	s10 =	sld [smem:$0x3FB2];
	_ =	sdelay $0x3  }
0x33: {  	p0 =	seq.s32 s10, $0x1;
	s10 =	sld [smem:$0x3FB4];
	_ =	sdelay $0x3  }
0x34: {  	[smem:$0x3FB4] =	sst s10  }
0x35: {  	s10 =	sld [smem:$0x3FB3];
	_ =	sdelay $0x3  }
0x36: {  	p1 =	seq.s32 s10, $0x1;
	s10 =	sld [smem:$0x3FB4];
	_ =	sdelay $0x3  }
0x37: {  	[smem:$0x3FB4] =	sst s10  }
0x38: {  	s10 =	sld [smem:$0x3FB5]  }
0x39: {  	_ = 	snop;
	(pc) =	sbr.ind lr, $3  }
0x3a: {  	_ = 	snop  }
0x3b: {  	_ = 	snop  }
0x3c: {  	p2 =	seq.s32 s10, $0x1;
	s10 =	sld [smem:$0x3FB4]  }
0x3d: {  	_ =	shalt  }
0x3e: {  	_ =	shalt  }
0x3f: {  	_ =	shalt  }
0x40: {  	_ =	shalt  }
0x41: {  	_ =	shalt  }
0x42: {  	_ =	shalt  }
0x43: {  	_ =	shalt  }
0x44: {  	_ =	shalt  }
0x45: {  	_ =	shalt  }
0x46: {  	_ =	shalt  }
0x47: {  	_ =	shalt  }
0x48: {  	_ =	shalt  }
0x49: {  	_ =	shalt  }
0x4a: {  	_ =	shalt  }
0x4b: {  	_ =	shalt  }
0x4c: {  	_ =	shalt  }
0x4d: {  	_ =	shalt  }
0x4e: {  	_ =	shalt  }
0x4f: {  	_ =	shalt  }
0x50: {  	_ =	shalt  }
0x51: {  	_ =	shalt  }
0x52: {  	_ =	shalt  }
0x53: {  	_ =	shalt  }
0x54: {  	_ =	shalt  }
0x55: {  	_ =	shalt  }
0x56: {  	_ =	shalt  }
0x57: {  	_ =	shalt  }
0x58: {  	_ =	shalt  }
0x59: {  	_ =	shalt  }
0x5a: {  	_ =	shalt  }
0x5b: {  	_ =	shalt  }
0x5c: {  	_ =	shalt  }
0x5d: {  	_ =	shalt  }
0x5e: {  	_ =	shalt  }
0x5f: {  	_ =	shalt  }
0x60: {  	_ =	shalt  }
0x61: {  	_ =	shalt  }
0x62: {  	_ =	shalt  }
0x63: {  	_ =	shalt  }
0x64: {  	_ =	shalt  }
0x65: {  	_ =	shalt  }
0x66: {  	_ =	shalt  }
0x67: {  	_ =	shalt  }
0x68: {  	_ =	shalt  }
0x69: {  	_ =	shalt  }
0x6a: {  	_ =	shalt  }
0x6b: {  	_ =	shalt  }
0x6c: {  	_ =	shalt  }
0x6d: {  	_ =	shalt  }
0x6e: {  	_ =	shalt  }
0x6f: {  	_ =	shalt  }
0x70: {  	_ =	shalt  }
0x71: {  	_ =	shalt  }
0x72: {  	_ =	shalt  }
0x73: {  	_ =	shalt  }
0x74: {  	_ =	shalt  }
0x75: {  	_ =	shalt  }
0x76: {  	_ =	shalt  }
0x77: {  	_ =	shalt  }
0x78: {  	_ =	shalt  }
0x79: {  	_ =	shalt  }
0x7a: {  	_ =	shalt  }
0x7b: {  	_ =	shalt  }
0x7c: {  	_ =	shalt  }
0x7d: {  	_ =	shalt  }
0x7e: {  	_ =	shalt  }
0x7f: {  	_ =	shalt  }
0x80: {  	_ =	shalt  }
0x81: {  	_ =	shalt  }
0x82: {  	_ =	shalt  }
0x83: {  	_ =	shalt  }
0x84: {  	_ =	shalt  }
0x85: {  	_ =	shalt  }
0x86: {  	_ =	shalt  }
0x87: {  	_ =	shalt  }
.Lfunc_end0:
.L_simem_size_0:
called_computation_lowered:
.L_overlay_start_0:
0x88: {  	s2 =	sld [smem:$0x3FD9]  }
0x89: {  	s3 =	sld [smem:$0x3FFE];
	_ =	sdelay $0x1  }
0x8a: {  	s1 =	srdreg.scid  }
0x8b: {  	s0 =	sand.u32 $0x1, s1  }
0x8c: {  	s17 =	sshll.u32 s0, $0xA;
	s2 =	sadd.s32 s3, s2  }
0x8d: {  	s2 =	sadd.s32 s2, s17  }
0x8e: {  	[smem:$0x3FC0] =	sst s2  }
0x8f: {  	_ = 	snop  }
0x90: {  	s2 =	sld [smem:$0x3FC9]  }
0x91: {  	s18 =	sld [smem:$0x3FC8]  }
0x92: {  	s4 =	sld [smem:$0x3FC7]  }
0x93: {  	s5 =	sld [smem:$0x3FC6];
	(tm) =	ssettm $0x1  }
0x94: {  	s6 =	sld [smem:$0x3FFB];
	_ =	sdelay $0x3  }
0x95: {  	_ =	strace s6  }
0x96: {  	s6 =	sld [smem:$0x3FFC];
	_ =	sdelay $0x3  }
0x97: {  	_ =	strace s6  }
0x98: {  	s6 =	sld [smem:$0x3FFD];
	_ =	sdelay $0x3  }
0x99: {  	_ =	strace s6  }
0x9a: {  	_ =	strace $0x8FFFFFFF  }
0x9b: {  	s19 =	sld [smem:$0x3FDB];
	_ =	sdelay $0x1  }
0x9c: {  	s7 =	simm.s32 $_scs_section_size  }
0x9d: {  	s8 =	simm.s32 $_size__tile_overlayer_lowered;
	s9 =	simm.s32 $_tile_overlayer_lowered  }
0x9e: {  	s22 =	simm.s32 $0x1BFF;
	s21 =	sshll.u32 s9, $0x1;
	s6 =	sadd.s32 s7, s19  }
0x9f: {  	s10 =	simm.s32 $0x0;
	s20 =	sshll.u32 s8, $0x1;
	s8 =	sadd.s32 s21, s6  }
0xa0: {  	[timem:s10], [sflag:s22] =	dma.local [hbm:s8], s20  }
0xa1: {  	_ =	swait.ge [sflag:s22], s20  }
0xa2: {  	s7 =	ssub.s32 $0x0, s20;
	[sflag:s22] =	ssyncset.done $0x0  }
0xa3: {  	[sflag:s22] =	ssyncadd.s32 s7;
	_ =	sdelay $0x1  }
0xa4: {  	s23 =	simm.s32 $0x1B8B  }
0xa5: {  	_ =	swait.ge [sflag:s23], $0x1  }
0xa6: {  	[sflag:s23] =	ssyncset.done $0x0  }
0xa7: {  	s25 =	simm.s32 $0x1B8E;
	s24 =	sld [smem:$0x3FFE];
	[sflag:s23] =	ssyncadd.s32 $0xFFFFFFFF  }
0xa8: {  	s26 =	simm.s32 $execute0_lowered;
	[smem:$0x3FD2] =	sst s25  }
0xa9: {  	s8 =	sshll.u32 s26, $0x1;
	_ =	strace $0x80000046;
	[dreg:$0x1] =	wrdreg $0xFFFFFFFF  }
0xaa: {  	s28 =	simm.s32 $_size_execute0_lowered;
	s6 =	sadd.s32 s6, s8;
	[dreg:$0x0] =	wrdreg $0x0  }
0xab: {  	s8 =	sshll.u32 s28, $0x1;
	[dreg:$0x2] =	wrdreg s6  }
0xac: {  	[dreg:$0x3] =	wrdreg s8  }
0xad: {  	[dreg:$0x4] =	wrdreg $0xC0  }
0xae: {  	_ =	task [dreg:s10], $0x5FFFF  }
0xaf: {  	[dreg:$0x1] =	wrdreg $0xFFFFFFFF  }
0xb0: {  	[dreg:$0x0] =	wrdreg $0x60  }
0xb1: {  	[dreg:$0x2] =	wrdreg s4  }
0xb2: {  	[dreg:$0x3] =	wrdreg s5  }
0xb3: {  	[dreg:$0x4] =	wrdreg s2  }
0xb4: {  	[dreg:$0x5] =	wrdreg s18  }
0xb5: {  	[dreg:$0x6] =	wrdreg s24  }
0xb6: {  	[dreg:$0x7] =	wrdreg $0x9  }
0xb7: {  	_ =	task.clear_ibuf [dreg:s10], $0x8FFFF;
	_ =	strace $0x90000046  }
0xb8: {  	s29 =	simm.s32 $0x9;
	_ =	strace $0x80000048  }
0xb9: {  	_ =	swait.ge [sflag:s29], $0x1  }
0xba: {  	[sflag:s29] =	ssyncadd.s32 $0xFFFFFFFF  }
0xbb: {  	_ =	strace $0x90000048  }
0xbc: {  	_ =	sfence  }
0xbd: {  	s30 =	sld [smem:$0x0];
	_ =	sdelay $0x2  }
0xbe: {  	s31 =	sshll.u32 s1, $0xD;
	s1 =	sshrl.u32 s1, $0x2  }
0xbf: {  	s3 =	sand.u32 $0x4000, s31;
	s1 =	sadd.s32 s1, s30  }
0xc0: {  	s0 =	sor.u32 s3, s0;
	s1 =	sshll.u32 s1, $0x11  }
0xc1: {  	s0 =	sor.u32 s1, s0  }
0xc2: {  	s0 =	sadd.s32 $0x8F2B, s0  }
0xc3: {  	[sflag:s0] =	ssyncadd.remote.s32 $0x1  }
0xc4: {  	_ =	sfence.sel $0xFFFF  }
0xc5: {  	[dreg:$0x0] =	wrdreg $0xFFFFFFFF;
	(pc) =	sbr.abs _section_cstart, $3  }
0xc6: {  	[dreg:$0x1] =	wrdreg $0xFFFFFFFF  }
0xc7: {  	_ =	task.clear_ibuf [dreg:s10], $0x2FFFF;
	_ =	strace $0x9FFFFFFF  }
0xc8: {  	(tm) =	ssettm $0x7FFFFFFF  }
0xc9: {  	_ =	shalt  }
tec
execute0_lowered:
.L_overlay_start_1:
0x0: {  	(tag) =	ssettag $0x1  }
0x1: {  	s4 =	rddreg [dreg:$0x0]  }
0x2: {  	s3 =	rddreg [dreg:$0x1]  }
0x3: {  	s0 =	rddreg [dreg:$0x2];
	s1 =	srdreg.scid  }
0x4: {  	s5 =	rddreg [dreg:$0x3];
	s2 =	stileid.u32;
	s1 =	sand.u32 $0x1, s1  }
0x5: {  	s6 =	rddreg [dreg:$0x4];
	s7 =	sshll.u32 s2, $0xA;
	s8 =	sshll.u32 s1, $0x9  }
0x6: {  	s31 =	simm.s32 $0x9;
	s2 =	simm.s32 $0x0;
	s7 =	sor.u32 s8, s7  }
0x7: {  	s30 =	simm.s32 $0x200;
	[smem:$0x7FF] =	sst s2;
	s8 =	sshrl.u32 s7, $0x3  }
0x8: {  	s9 =	sadd.s32 $0x1200, s6;
	_ =	strace $0x80000047;
	s0 =	sadd.s32 s0, s8  }
0x9: {  	s18 =	sadd.s32 s5, s8;
	s5 =	sshll.u32 s7, $0x4;
	[dreg:$0x6] =	wrdreg s0  }
0xa: {  	s6 =	sadd.s32 $0x41200, s6;
	[dreg:$0x7] =	wrdreg s18;
	s19 =	sadd.s32 s9, s5  }
0xb: {  	s29 =	simm.s32 $0x280;
	s20 =	sadd.s32 s6, s5;
	[dreg:$0x8] =	wrdreg s19  }
0xc: {  	s28 =	simm.s32 $0xC0;
	s7 =	sor.u32 $0x400, s5;
	[dreg:$0x9] =	wrdreg s20  }
0xd: {  	p0 =	por $0x0, $0x0;
	s21 =	sadd.s32 s9, s7;
	s0 =	rddreg [dreg:$0x6]  }
0xe: {  	s23 =	sor.u32 $0x800, s5;
	s22 =	sadd.s32 s6, s7;
	[dreg:$0xa] =	wrdreg s21  }
0xf: {  	s1 =	ssub.s32 $0x2, s1;
	s24 =	sadd.s32 s9, s23;
	[dreg:$0xb] =	wrdreg s22  }
0x10: {  	s26 =	sor.u32 $0xC00, s5;
	s25 =	sadd.s32 s6, s23;
	[dreg:$0xc] =	wrdreg s24  }
0x11: {  	s11 =	sor.u32 $0x1000, s5;
	s8 =	sadd.s32 s9, s26;
	[dreg:$0xd] =	wrdreg s25  }
0x12: {  	s14 =	sor.u32 $0x1400, s5;
	s10 =	sadd.s32 s6, s26;
	[dreg:$0xe] =	wrdreg s8  }
0x13: {  	s17 =	sor.u32 $0x1800, s5;
	s12 =	sadd.s32 s9, s11;
	[dreg:$0xf] =	wrdreg s10  }
0x14: {  	s5 =	sor.u32 $0x1C00, s5;
	s13 =	sadd.s32 s6, s11;
	[dreg:$0x10] =	wrdreg s12  }
0x15: {  	s15 =	sadd.s32 s9, s14;
	s16 =	sadd.s32 s6, s14;
	[dreg:$0x11] =	wrdreg s13  }
0x16: {  	s18 =	sadd.s32 s9, s17;
	s19 =	sadd.s32 s6, s17;
	[dreg:$0x12] =	wrdreg s15  }
0x17: {  	s20 =	sshrl.u32 s1, $0x1;
	s14 =	simm.s32 $0x40;
	[dreg:$0x13] =	wrdreg s16  }
0x18: {  	s11 =	simm.s32 $0x2400;
	s26 =	simm.s32 $0x80;
	[dreg:$0x14] =	wrdreg s18  }
0x19: {  	s17 =	simm.s32 $0x1;
	s7 =	simm.s32 $0x6;
	[dreg:$0x15] =	wrdreg s19  }
0x1a: {  	s21 =	sadd.s32 s9, s5;
	s1 =	ssub.s32 s1, s20;
	s22 =	sadd.s32 s6, s5  }
0x1b: {  	s12 =	simm.s32 $0x400;
	s10 =	simm.s32 $0x4400;
	s25 =	simm.s32 $0x240  }
0x1c: {  	s5 =	simm.s32 $0x6400;
	s6 =	simm.s32 $0x5;
	[dreg:$0x19] =	wrdreg s26  }
0x1d: {  	s16 =	simm.s32 $0x2;
	s15 =	simm.s32 $0x3;
	s23 =	smax.u32 s1, $0x1  }
0x1e: {  	s8 =	simm.s32 $0x7;
	s13 =	simm.s32 $0x4;
	p1 =	sne.s32 s23, $0x1  }
.Ltmp0:
0x1f: {  	s9 =	simm.s32 $0x8;
	s26 =	simm.s32 $0x2C0;
	(pc) =	sbr.rel @!p1 .LBB2_3-.Ltmp0, $4  }
0x20: {  	s24 =	simm.s32 $0x300;
	s20 =	simm.s32 $0x380;
	[dreg:$0x16] =	wrdreg s21  }
0x21: {  	s19 =	simm.s32 $0x1C0;
	s18 =	simm.s32 $0x3C0;
	[dreg:$0x17] =	wrdreg s22  }
0x22: {  	[dreg:$0x18] =	wrdreg s25;
	s25 =	simm.s32 $0x100;
	s22 =	simm.s32 $0x340  }
0x23: {  	s21 =	simm.s32 $0x180;
	s1 =	sadd.s32 $0xFFFFFFFF, s23;
	s23 =	simm.s32 $0x140  }
0x24: {  	[tilespmem:s2], [sflag:$0x9] =	stream.linear.gather [hbm4b:s0+s2], $0x200, $0x38;
	[tilespmem:$0x8400] =	vst v63  }
0x25: {  	_ =	swait.ge [sflag:s31], $0x200  }
0x26: {  	[sflag:s31] =	ssyncset.done $0x0  }
0x27: {  	s0 =	rddreg [dreg:$0x7];
	[sflag:s31] =	ssyncadd.s32 $0xFFFFFE00  }
0x28: {  	[tilespmem:s30], [sflag:$0x9] =	stream.linear.gather [hbm4b:s0+s2], $0x200, $0x38;
	[tilespmem:$0x8400] =	vst v63  }
0x29: {  	_ =	swait.ge [sflag:s31], $0x200  }
0x2a: {  	[sflag:s31] =	ssyncset.done $0x0  }
0x2b: {  	[sflag:s31] =	ssyncadd.s32 $0xFFFFFE00  }
0x2c: {  	[tilespmem:s12], [sflag:$0x1] =	stream.indirect.gather [hbm4b:s4+s14], $0x80, s2, s14, $0xb8;
	[tilespmem:$0x8400] =	vst v63  }
0x2d: {  	_ = 	snop  }
0x2e: {  	[tilespmem:s11], [sflag:$0x2] =	stream.indirect.gather [hbm4b:s3+s14], $0x80, s30, s14, $0xb8;
	[tilespmem:$0x8400] =	vst v63  }
0x2f: {  	_ = 	snop  }
0x30: {  	[tilespmem:s10], [sflag:$0x3] =	stream.indirect.gather [hbm4b:s4+s14], $0x80, s14, s14, $0xb8;
	[tilespmem:$0x8400] =	vst v63  }
0x31: {  	s0 =	rddreg [dreg:$0x18]  }
0x32: {  	[tilespmem:s5], [sflag:$0x4] =	stream.indirect.gather [hbm4b:s3+s14], $0x80, s0, s14, $0xb8;
	[tilespmem:$0x8400] =	vst v63  }
0x33: {  	_ =	swait.ge [sflag:s17], $0x2000  }
0x34: {  	[sflag:s17] =	ssyncset.done $0x0  }
0x35: {  	s0 =	rddreg [dreg:$0x8];
	[sflag:s17] =	ssyncadd.s32 $0xFFFFE000  }
0x36: {  	[hbm4b:s0+s2] =	stream.linear.scatter [tilespmem:s12], [sflag:$0x5], $0x2000, $0x38;
	[tilespmem:$0x8400] =	vst v63  }
0x37: {  	_ =	swait.ge [sflag:s6], $0x2000  }
0x38: {  	[sflag:s6] =	ssyncset.done $0x0  }
0x39: {  	s0 =	rddreg [dreg:$0x19];
	[sflag:s6] =	ssyncadd.s32 $0xFFFFE000  }
0x3a: {  	[tilespmem:s12], [sflag:$0x1] =	stream.indirect.gather [hbm4b:s4+s14], $0x80, s0, s14, $0xb8;
	[tilespmem:$0x8400] =	vst v63  }
0x3b: {  	_ =	swait.ge [sflag:s16], $0x2000  }
0x3c: {  	[sflag:s16] =	ssyncset.done $0x0  }
0x3d: {  	s0 =	rddreg [dreg:$0x9];
	[sflag:s16] =	ssyncadd.s32 $0xFFFFE000  }
0x3e: {  	[hbm4b:s0+s2] =	stream.linear.scatter [tilespmem:s11], [sflag:$0x6], $0x2000, $0x38;
	[tilespmem:$0x8400] =	vst v63  }
0x3f: {  	_ =	swait.ge [sflag:s7], $0x2000  }
0x40: {  	[sflag:s7] =	ssyncset.done $0x0  }
0x41: {  	[sflag:s7] =	ssyncadd.s32 $0xFFFFE000  }
0x42: {  	[tilespmem:s11], [sflag:$0x2] =	stream.indirect.gather [hbm4b:s3+s14], $0x80, s29, s14, $0xb8;
	[tilespmem:$0x8400] =	vst v63  }
0x43: {  	_ =	swait.ge [sflag:s15], $0x2000  }
0x44: {  	[sflag:s15] =	ssyncset.done $0x0  }
0x45: {  	s0 =	rddreg [dreg:$0xa];
	[sflag:s15] =	ssyncadd.s32 $0xFFFFE000  }
0x46: {  	[hbm4b:s0+s2] =	stream.linear.scatter [tilespmem:s10], [sflag:$0x7], $0x2000, $0x38;
	[tilespmem:$0x8400] =	vst v63  }
0x47: {  	_ =	swait.ge [sflag:s8], $0x2000  }
0x48: {  	[sflag:s8] =	ssyncset.done $0x0  }
0x49: {  	[sflag:s8] =	ssyncadd.s32 $0xFFFFE000  }
0x4a: {  	[tilespmem:s10], [sflag:$0x3] =	stream.indirect.gather [hbm4b:s4+s14], $0x80, s28, s14, $0xb8;
	[tilespmem:$0x8400] =	vst v63  }
0x4b: {  	_ =	swait.ge [sflag:s13], $0x2000  }
0x4c: {  	[sflag:s13] =	ssyncset.done $0x0  }
0x4d: {  	s0 =	rddreg [dreg:$0xb];
	[sflag:s13] =	ssyncadd.s32 $0xFFFFE000  }
0x4e: {  	[hbm4b:s0+s2] =	stream.linear.scatter [tilespmem:s5], [sflag:$0x8], $0x2000, $0x38;
	[tilespmem:$0x8400] =	vst v63  }
0x4f: {  	_ =	swait.ge [sflag:s9], $0x2000  }
0x50: {  	[sflag:s9] =	ssyncset.done $0x0  }
0x51: {  	[sflag:s9] =	ssyncadd.s32 $0xFFFFE000  }
0x52: {  	[tilespmem:s5], [sflag:$0x4] =	stream.indirect.gather [hbm4b:s3+s14], $0x80, s26, s14, $0xb8;
	[tilespmem:$0x8400] =	vst v63  }
0x53: {  	_ =	swait.ge [sflag:s17], $0x2000  }
0x54: {  	[sflag:s17] =	ssyncset.done $0x0  }
0x55: {  	s0 =	rddreg [dreg:$0xc];
	[sflag:s17] =	ssyncadd.s32 $0xFFFFE000  }
0x56: {  	[hbm4b:s0+s2] =	stream.linear.scatter [tilespmem:s12], [sflag:$0x5], $0x2000, $0x38;
	[tilespmem:$0x8400] =	vst v63  }
0x57: {  	_ =	swait.ge [sflag:s6], $0x2000  }
0x58: {  	[sflag:s6] =	ssyncset.done $0x0  }
0x59: {  	[sflag:s6] =	ssyncadd.s32 $0xFFFFE000  }
0x5a: {  	[tilespmem:s12], [sflag:$0x1] =	stream.indirect.gather [hbm4b:s4+s14], $0x80, s25, s14, $0xb8;
	[tilespmem:$0x8400] =	vst v63  }
0x5b: {  	_ =	swait.ge [sflag:s16], $0x2000  }
0x5c: {  	[sflag:s16] =	ssyncset.done $0x0  }
0x5d: {  	s0 =	rddreg [dreg:$0xd];
	[sflag:s16] =	ssyncadd.s32 $0xFFFFE000  }
0x5e: {  	[hbm4b:s0+s2] =	stream.linear.scatter [tilespmem:s11], [sflag:$0x6], $0x2000, $0x38;
	[tilespmem:$0x8400] =	vst v63  }
0x5f: {  	_ =	swait.ge [sflag:s7], $0x2000  }
0x60: {  	[sflag:s7] =	ssyncset.done $0x0  }
0x61: {  	[sflag:s7] =	ssyncadd.s32 $0xFFFFE000  }
0x62: {  	[tilespmem:s11], [sflag:$0x2] =	stream.indirect.gather [hbm4b:s3+s14], $0x80, s24, s14, $0xb8;
	[tilespmem:$0x8400] =	vst v63  }
0x63: {  	_ =	swait.ge [sflag:s15], $0x2000  }
0x64: {  	[sflag:s15] =	ssyncset.done $0x0  }
0x65: {  	s0 =	rddreg [dreg:$0xe];
	[sflag:s15] =	ssyncadd.s32 $0xFFFFE000  }
0x66: {  	[hbm4b:s0+s2] =	stream.linear.scatter [tilespmem:s10], [sflag:$0x7], $0x2000, $0x38;
	[tilespmem:$0x8400] =	vst v63  }
0x67: {  	_ =	swait.ge [sflag:s8], $0x2000  }
0x68: {  	[sflag:s8] =	ssyncset.done $0x0  }
0x69: {  	[sflag:s8] =	ssyncadd.s32 $0xFFFFE000  }
0x6a: {  	[tilespmem:s10], [sflag:$0x3] =	stream.indirect.gather [hbm4b:s4+s14], $0x80, s23, s14, $0xb8;
	[tilespmem:$0x8400] =	vst v63  }
0x6b: {  	_ =	swait.ge [sflag:s13], $0x2000  }
0x6c: {  	[sflag:s13] =	ssyncset.done $0x0  }
0x6d: {  	s0 =	rddreg [dreg:$0xf];
	[sflag:s13] =	ssyncadd.s32 $0xFFFFE000  }
0x6e: {  	[hbm4b:s0+s2] =	stream.linear.scatter [tilespmem:s5], [sflag:$0x8], $0x2000, $0x38;
	[tilespmem:$0x8400] =	vst v63  }
0x6f: {  	_ =	swait.ge [sflag:s9], $0x2000  }
0x70: {  	[sflag:s9] =	ssyncset.done $0x0  }
0x71: {  	[sflag:s9] =	ssyncadd.s32 $0xFFFFE000  }
0x72: {  	[tilespmem:s5], [sflag:$0x4] =	stream.indirect.gather [hbm4b:s3+s14], $0x80, s22, s14, $0xb8;
	[tilespmem:$0x8400] =	vst v63  }
0x73: {  	_ =	swait.ge [sflag:s17], $0x2000  }
0x74: {  	[sflag:s17] =	ssyncset.done $0x0  }
0x75: {  	s0 =	rddreg [dreg:$0x10];
	[sflag:s17] =	ssyncadd.s32 $0xFFFFE000  }
0x76: {  	[hbm4b:s0+s2] =	stream.linear.scatter [tilespmem:s12], [sflag:$0x5], $0x2000, $0x38;
	[tilespmem:$0x8400] =	vst v63  }
0x77: {  	_ =	swait.ge [sflag:s6], $0x2000  }
0x78: {  	[sflag:s6] =	ssyncset.done $0x0  }
0x79: {  	[sflag:s6] =	ssyncadd.s32 $0xFFFFE000  }
0x7a: {  	[tilespmem:s12], [sflag:$0x1] =	stream.indirect.gather [hbm4b:s4+s14], $0x80, s21, s14, $0xb8;
	[tilespmem:$0x8400] =	vst v63  }
0x7b: {  	_ =	swait.ge [sflag:s16], $0x2000  }
0x7c: {  	[sflag:s16] =	ssyncset.done $0x0  }
0x7d: {  	s0 =	rddreg [dreg:$0x11];
	[sflag:s16] =	ssyncadd.s32 $0xFFFFE000  }
0x7e: {  	[hbm4b:s0+s2] =	stream.linear.scatter [tilespmem:s11], [sflag:$0x6], $0x2000, $0x38;
	[tilespmem:$0x8400] =	vst v63  }
0x7f: {  	_ =	swait.ge [sflag:s7], $0x2000  }
0x80: {  	[sflag:s7] =	ssyncset.done $0x0  }
0x81: {  	[sflag:s7] =	ssyncadd.s32 $0xFFFFE000  }
0x82: {  	[tilespmem:s11], [sflag:$0x2] =	stream.indirect.gather [hbm4b:s3+s14], $0x80, s20, s14, $0xb8;
	[tilespmem:$0x8400] =	vst v63  }
0x83: {  	_ =	swait.ge [sflag:s15], $0x2000  }
0x84: {  	[sflag:s15] =	ssyncset.done $0x0  }
0x85: {  	s0 =	rddreg [dreg:$0x12];
	[sflag:s15] =	ssyncadd.s32 $0xFFFFE000  }
0x86: {  	[hbm4b:s0+s2] =	stream.linear.scatter [tilespmem:s10], [sflag:$0x7], $0x2000, $0x38;
	[tilespmem:$0x8400] =	vst v63  }
0x87: {  	_ =	swait.ge [sflag:s8], $0x2000  }
0x88: {  	[sflag:s8] =	ssyncset.done $0x0  }
0x89: {  	[sflag:s8] =	ssyncadd.s32 $0xFFFFE000  }
0x8a: {  	[tilespmem:s10], [sflag:$0x3] =	stream.indirect.gather [hbm4b:s4+s14], $0x80, s19, s14, $0xb8;
	[tilespmem:$0x8400] =	vst v63  }
0x8b: {  	_ =	swait.ge [sflag:s13], $0x2000  }
0x8c: {  	[sflag:s13] =	ssyncset.done $0x0  }
0x8d: {  	s0 =	rddreg [dreg:$0x13];
	[sflag:s13] =	ssyncadd.s32 $0xFFFFE000  }
0x8e: {  	[hbm4b:s0+s2] =	stream.linear.scatter [tilespmem:s5], [sflag:$0x8], $0x2000, $0x38;
	[tilespmem:$0x8400] =	vst v63  }
0x8f: {  	_ =	swait.ge [sflag:s9], $0x2000  }
0x90: {  	[sflag:s9] =	ssyncset.done $0x0  }
0x91: {  	[sflag:s9] =	ssyncadd.s32 $0xFFFFE000  }
0x92: {  	[tilespmem:s5], [sflag:$0x4] =	stream.indirect.gather [hbm4b:s3+s14], $0x80, s18, s14, $0xb8;
	[tilespmem:$0x8400] =	vst v63  }
0x93: {  	_ =	swait.ge [sflag:s17], $0x2000  }
0x94: {  	[sflag:s17] =	ssyncset.done $0x0  }
0x95: {  	s0 =	rddreg [dreg:$0x14];
	[sflag:s17] =	ssyncadd.s32 $0xFFFFE000  }
0x96: {  	[hbm4b:s0+s2] =	stream.linear.scatter [tilespmem:s12], [sflag:$0x5], $0x2000, $0x38;
	[tilespmem:$0x8400] =	vst v63  }
0x97: {  	_ =	swait.ge [sflag:s16], $0x2000  }
0x98: {  	[sflag:s16] =	ssyncset.done $0x0  }
0x99: {  	s0 =	rddreg [dreg:$0x15];
	[sflag:s16] =	ssyncadd.s32 $0xFFFFE000  }
0x9a: {  	[hbm4b:s0+s2] =	stream.linear.scatter [tilespmem:s11], [sflag:$0x6], $0x2000, $0x38;
	[tilespmem:$0x8400] =	vst v63  }
0x9b: {  	_ =	swait.ge [sflag:s15], $0x2000  }
0x9c: {  	[sflag:s15] =	ssyncset.done $0x0  }
0x9d: {  	s0 =	rddreg [dreg:$0x16];
	[sflag:s15] =	ssyncadd.s32 $0xFFFFE000  }
0x9e: {  	[hbm4b:s0+s2] =	stream.linear.scatter [tilespmem:s10], [sflag:$0x7], $0x2000, $0x38;
	[tilespmem:$0x8400] =	vst v63  }
0x9f: {  	_ =	swait.ge [sflag:s13], $0x2000  }
0xa0: {  	[sflag:s13] =	ssyncset.done $0x0  }
0xa1: {  	s0 =	rddreg [dreg:$0x17];
	[sflag:s13] =	ssyncadd.s32 $0xFFFFE000  }
0xa2: {  	[hbm4b:s0+s2] =	stream.linear.scatter [tilespmem:s5], [sflag:$0x8], $0x2000, $0x38;
	[tilespmem:$0x8400] =	vst v63  }
0xa3: {  	_ =	swait.ge [sflag:s6], $0x2000  }
0xa4: {  	[sflag:s6] =	ssyncset.done $0x0  }
0xa5: {  	[sflag:s6] =	ssyncadd.s32 $0xFFFFE000  }
0xa6: {  	_ =	swait.ge [sflag:s7], $0x2000  }
0xa7: {  	[sflag:s7] =	ssyncset.done $0x0  }
0xa8: {  	p1 =	sne.s32 s1, $0x1;
	[sflag:s7] =	ssyncadd.s32 $0xFFFFE000  }
.Ltmp1:
0xa9: {  	_ =	swait.ge [sflag:s8], $0x2000;
	(pc) =	sbr.rel @!p1 .LBB2_3-.Ltmp1, $4  }
0xaa: {  	[sflag:s8] =	ssyncset.done $0x0  }
0xab: {  	[sflag:s8] =	ssyncadd.s32 $0xFFFFE000  }
0xac: {  	s1 =	sadd.s32 $0xFFFFFFFF, s1;
	_ =	swait.ge [sflag:s9], $0x2000  }
0xad: {  	p0 =	por $0x1, $0x1;
	s0 =	rddreg [dreg:$0x6];
	[sflag:s9] =	ssyncset.done $0x0  }
.LBB2_2:
0xae: {  	[sflag:s9] =	ssyncadd.s32 $0xFFFFE000  }
0xaf: {  	[tilespmem:s2], [sflag:$0x9] =	stream.linear.gather [hbm4b:s0+s2], $0x200, $0x38;
	[tilespmem:$0x8400] =	vst v63  }
0xb0: {  	_ =	swait.ge [sflag:s31], $0x200  }
0xb1: {  	[sflag:s31] =	ssyncset.done $0x0  }
0xb2: {  	s0 =	rddreg [dreg:$0x7];
	[sflag:s31] =	ssyncadd.s32 $0xFFFFFE00  }
0xb3: {  	[tilespmem:s30], [sflag:$0x9] =	stream.linear.gather [hbm4b:s0+s2], $0x200, $0x38;
	[tilespmem:$0x8400] =	vst v63  }
0xb4: {  	_ =	swait.ge [sflag:s31], $0x200  }
0xb5: {  	[sflag:s31] =	ssyncset.done $0x0  }
0xb6: {  	[sflag:s31] =	ssyncadd.s32 $0xFFFFFE00  }
0xb7: {  	[tilespmem:s12], [sflag:$0x1] =	stream.indirect.gather [hbm4b:s4+s14], $0x80, s2, s14, $0xb8;
	[tilespmem:$0x8400] =	vst v63  }
0xb8: {  	_ = 	snop  }
0xb9: {  	[tilespmem:s11], [sflag:$0x2] =	stream.indirect.gather [hbm4b:s3+s14], $0x80, s30, s14, $0xb8;
	[tilespmem:$0x8400] =	vst v63  }
0xba: {  	_ = 	snop  }
0xbb: {  	[tilespmem:s10], [sflag:$0x3] =	stream.indirect.gather [hbm4b:s4+s14], $0x80, s14, s14, $0xb8;
	[tilespmem:$0x8400] =	vst v63  }
0xbc: {  	s0 =	rddreg [dreg:$0x18]  }
0xbd: {  	[tilespmem:s5], [sflag:$0x4] =	stream.indirect.gather [hbm4b:s3+s14], $0x80, s0, s14, $0xb8;
	[tilespmem:$0x8400] =	vst v63  }
0xbe: {  	_ =	swait.ge [sflag:s17], $0x2000  }
0xbf: {  	[sflag:s17] =	ssyncset.done $0x0  }
0xc0: {  	s0 =	rddreg [dreg:$0x8];
	[sflag:s17] =	ssyncadd.s32 $0xFFFFE000  }
0xc1: {  	[hbm4b:s0+s2] =	stream.linear.scatter [tilespmem:s12], [sflag:$0x5], $0x2000, $0x38;
	[tilespmem:$0x8400] =	vst v63  }
0xc2: {  	_ =	swait.ge [sflag:s6], $0x2000  }
0xc3: {  	[sflag:s6] =	ssyncset.done $0x0  }
0xc4: {  	s0 =	rddreg [dreg:$0x19];
	[sflag:s6] =	ssyncadd.s32 $0xFFFFE000  }
0xc5: {  	[tilespmem:s12], [sflag:$0x1] =	stream.indirect.gather [hbm4b:s4+s14], $0x80, s0, s14, $0xb8;
	[tilespmem:$0x8400] =	vst v63  }
0xc6: {  	_ =	swait.ge [sflag:s16], $0x2000  }
0xc7: {  	[sflag:s16] =	ssyncset.done $0x0  }
0xc8: {  	s0 =	rddreg [dreg:$0x9];
	[sflag:s16] =	ssyncadd.s32 $0xFFFFE000  }
0xc9: {  	[hbm4b:s0+s2] =	stream.linear.scatter [tilespmem:s11], [sflag:$0x6], $0x2000, $0x38;
	[tilespmem:$0x8400] =	vst v63  }
0xca: {  	_ =	swait.ge [sflag:s7], $0x2000  }
0xcb: {  	[sflag:s7] =	ssyncset.done $0x0  }
0xcc: {  	[sflag:s7] =	ssyncadd.s32 $0xFFFFE000  }
0xcd: {  	[tilespmem:s11], [sflag:$0x2] =	stream.indirect.gather [hbm4b:s3+s14], $0x80, s29, s14, $0xb8;
	[tilespmem:$0x8400] =	vst v63  }
0xce: {  	_ =	swait.ge [sflag:s15], $0x2000  }
0xcf: {  	[sflag:s15] =	ssyncset.done $0x0  }
0xd0: {  	s0 =	rddreg [dreg:$0xa];
	[sflag:s15] =	ssyncadd.s32 $0xFFFFE000  }
0xd1: {  	[hbm4b:s0+s2] =	stream.linear.scatter [tilespmem:s10], [sflag:$0x7], $0x2000, $0x38;
	[tilespmem:$0x8400] =	vst v63  }
0xd2: {  	_ =	swait.ge [sflag:s8], $0x2000  }
0xd3: {  	[sflag:s8] =	ssyncset.done $0x0  }
0xd4: {  	[sflag:s8] =	ssyncadd.s32 $0xFFFFE000  }
0xd5: {  	[tilespmem:s10], [sflag:$0x3] =	stream.indirect.gather [hbm4b:s4+s14], $0x80, s28, s14, $0xb8;
	[tilespmem:$0x8400] =	vst v63  }
0xd6: {  	_ =	swait.ge [sflag:s13], $0x2000  }
0xd7: {  	[sflag:s13] =	ssyncset.done $0x0  }
0xd8: {  	s0 =	rddreg [dreg:$0xb];
	[sflag:s13] =	ssyncadd.s32 $0xFFFFE000  }
0xd9: {  	[hbm4b:s0+s2] =	stream.linear.scatter [tilespmem:s5], [sflag:$0x8], $0x2000, $0x38;
	[tilespmem:$0x8400] =	vst v63  }
0xda: {  	_ =	swait.ge [sflag:s9], $0x2000  }
0xdb: {  	[sflag:s9] =	ssyncset.done $0x0  }
0xdc: {  	[sflag:s9] =	ssyncadd.s32 $0xFFFFE000  }
0xdd: {  	[tilespmem:s5], [sflag:$0x4] =	stream.indirect.gather [hbm4b:s3+s14], $0x80, s26, s14, $0xb8;
	[tilespmem:$0x8400] =	vst v63  }
0xde: {  	_ =	swait.ge [sflag:s17], $0x2000  }
0xdf: {  	[sflag:s17] =	ssyncset.done $0x0  }
0xe0: {  	s0 =	rddreg [dreg:$0xc];
	[sflag:s17] =	ssyncadd.s32 $0xFFFFE000  }
0xe1: {  	[hbm4b:s0+s2] =	stream.linear.scatter [tilespmem:s12], [sflag:$0x5], $0x2000, $0x38;
	[tilespmem:$0x8400] =	vst v63  }
0xe2: {  	_ =	swait.ge [sflag:s6], $0x2000  }
0xe3: {  	[sflag:s6] =	ssyncset.done $0x0  }
0xe4: {  	[sflag:s6] =	ssyncadd.s32 $0xFFFFE000  }
0xe5: {  	[tilespmem:s12], [sflag:$0x1] =	stream.indirect.gather [hbm4b:s4+s14], $0x80, s25, s14, $0xb8;
	[tilespmem:$0x8400] =	vst v63  }
0xe6: {  	_ =	swait.ge [sflag:s16], $0x2000  }
0xe7: {  	[sflag:s16] =	ssyncset.done $0x0  }
0xe8: {  	s0 =	rddreg [dreg:$0xd];
	[sflag:s16] =	ssyncadd.s32 $0xFFFFE000  }
0xe9: {  	[hbm4b:s0+s2] =	stream.linear.scatter [tilespmem:s11], [sflag:$0x6], $0x2000, $0x38;
	[tilespmem:$0x8400] =	vst v63  }
0xea: {  	_ =	swait.ge [sflag:s7], $0x2000  }
0xeb: {  	[sflag:s7] =	ssyncset.done $0x0  }
0xec: {  	[sflag:s7] =	ssyncadd.s32 $0xFFFFE000  }
0xed: {  	[tilespmem:s11], [sflag:$0x2] =	stream.indirect.gather [hbm4b:s3+s14], $0x80, s24, s14, $0xb8;
	[tilespmem:$0x8400] =	vst v63  }
0xee: {  	_ =	swait.ge [sflag:s15], $0x2000  }
0xef: {  	[sflag:s15] =	ssyncset.done $0x0  }
0xf0: {  	s0 =	rddreg [dreg:$0xe];
	[sflag:s15] =	ssyncadd.s32 $0xFFFFE000  }
0xf1: {  	[hbm4b:s0+s2] =	stream.linear.scatter [tilespmem:s10], [sflag:$0x7], $0x2000, $0x38;
	[tilespmem:$0x8400] =	vst v63  }
0xf2: {  	_ =	swait.ge [sflag:s8], $0x2000  }
0xf3: {  	[sflag:s8] =	ssyncset.done $0x0  }
0xf4: {  	[sflag:s8] =	ssyncadd.s32 $0xFFFFE000  }
0xf5: {  	[tilespmem:s10], [sflag:$0x3] =	stream.indirect.gather [hbm4b:s4+s14], $0x80, s23, s14, $0xb8;
	[tilespmem:$0x8400] =	vst v63  }
0xf6: {  	_ =	swait.ge [sflag:s13], $0x2000  }
0xf7: {  	[sflag:s13] =	ssyncset.done $0x0  }
0xf8: {  	s0 =	rddreg [dreg:$0xf];
	[sflag:s13] =	ssyncadd.s32 $0xFFFFE000  }
0xf9: {  	[hbm4b:s0+s2] =	stream.linear.scatter [tilespmem:s5], [sflag:$0x8], $0x2000, $0x38;
	[tilespmem:$0x8400] =	vst v63  }
0xfa: {  	_ =	swait.ge [sflag:s9], $0x2000  }
0xfb: {  	[sflag:s9] =	ssyncset.done $0x0  }
0xfc: {  	[sflag:s9] =	ssyncadd.s32 $0xFFFFE000  }
0xfd: {  	[tilespmem:s5], [sflag:$0x4] =	stream.indirect.gather [hbm4b:s3+s14], $0x80, s22, s14, $0xb8;
	[tilespmem:$0x8400] =	vst v63  }
0xfe: {  	_ =	swait.ge [sflag:s17], $0x2000  }
0xff: {  	[sflag:s17] =	ssyncset.done $0x0  }
0x100: {  	s0 =	rddreg [dreg:$0x10];
	[sflag:s17] =	ssyncadd.s32 $0xFFFFE000  }
0x101: {  	[hbm4b:s0+s2] =	stream.linear.scatter [tilespmem:s12], [sflag:$0x5], $0x2000, $0x38;
	[tilespmem:$0x8400] =	vst v63  }
0x102: {  	_ =	swait.ge [sflag:s6], $0x2000  }
0x103: {  	[sflag:s6] =	ssyncset.done $0x0  }
0x104: {  	[sflag:s6] =	ssyncadd.s32 $0xFFFFE000  }
0x105: {  	[tilespmem:s12], [sflag:$0x1] =	stream.indirect.gather [hbm4b:s4+s14], $0x80, s21, s14, $0xb8;
	[tilespmem:$0x8400] =	vst v63  }
0x106: {  	_ =	swait.ge [sflag:s16], $0x2000  }
0x107: {  	[sflag:s16] =	ssyncset.done $0x0  }
0x108: {  	s0 =	rddreg [dreg:$0x11];
	[sflag:s16] =	ssyncadd.s32 $0xFFFFE000  }
0x109: {  	[hbm4b:s0+s2] =	stream.linear.scatter [tilespmem:s11], [sflag:$0x6], $0x2000, $0x38;
	[tilespmem:$0x8400] =	vst v63  }
0x10a: {  	_ =	swait.ge [sflag:s7], $0x2000  }
0x10b: {  	[sflag:s7] =	ssyncset.done $0x0  }
0x10c: {  	[sflag:s7] =	ssyncadd.s32 $0xFFFFE000  }
0x10d: {  	[tilespmem:s11], [sflag:$0x2] =	stream.indirect.gather [hbm4b:s3+s14], $0x80, s20, s14, $0xb8;
	[tilespmem:$0x8400] =	vst v63  }
0x10e: {  	_ =	swait.ge [sflag:s15], $0x2000  }
0x10f: {  	[sflag:s15] =	ssyncset.done $0x0  }
0x110: {  	s0 =	rddreg [dreg:$0x12];
	[sflag:s15] =	ssyncadd.s32 $0xFFFFE000  }
0x111: {  	[hbm4b:s0+s2] =	stream.linear.scatter [tilespmem:s10], [sflag:$0x7], $0x2000, $0x38;
	[tilespmem:$0x8400] =	vst v63  }
0x112: {  	_ =	swait.ge [sflag:s8], $0x2000  }
0x113: {  	[sflag:s8] =	ssyncset.done $0x0  }
0x114: {  	[sflag:s8] =	ssyncadd.s32 $0xFFFFE000  }
0x115: {  	[tilespmem:s10], [sflag:$0x3] =	stream.indirect.gather [hbm4b:s4+s14], $0x80, s19, s14, $0xb8;
	[tilespmem:$0x8400] =	vst v63  }
0x116: {  	_ =	swait.ge [sflag:s13], $0x2000  }
0x117: {  	[sflag:s13] =	ssyncset.done $0x0  }
0x118: {  	s0 =	rddreg [dreg:$0x13];
	[sflag:s13] =	ssyncadd.s32 $0xFFFFE000  }
0x119: {  	[hbm4b:s0+s2] =	stream.linear.scatter [tilespmem:s5], [sflag:$0x8], $0x2000, $0x38;
	[tilespmem:$0x8400] =	vst v63  }
0x11a: {  	_ =	swait.ge [sflag:s9], $0x2000  }
0x11b: {  	[sflag:s9] =	ssyncset.done $0x0  }
0x11c: {  	[sflag:s9] =	ssyncadd.s32 $0xFFFFE000  }
0x11d: {  	[tilespmem:s5], [sflag:$0x4] =	stream.indirect.gather [hbm4b:s3+s14], $0x80, s18, s14, $0xb8;
	[tilespmem:$0x8400] =	vst v63  }
0x11e: {  	_ =	swait.ge [sflag:s17], $0x2000  }
0x11f: {  	[sflag:s17] =	ssyncset.done $0x0  }
0x120: {  	s0 =	rddreg [dreg:$0x14];
	[sflag:s17] =	ssyncadd.s32 $0xFFFFE000  }
0x121: {  	[hbm4b:s0+s2] =	stream.linear.scatter [tilespmem:s12], [sflag:$0x5], $0x2000, $0x38;
	[tilespmem:$0x8400] =	vst v63  }
0x122: {  	_ =	swait.ge [sflag:s16], $0x2000  }
0x123: {  	[sflag:s16] =	ssyncset.done $0x0  }
0x124: {  	s0 =	rddreg [dreg:$0x15];
	[sflag:s16] =	ssyncadd.s32 $0xFFFFE000  }
0x125: {  	[hbm4b:s0+s2] =	stream.linear.scatter [tilespmem:s11], [sflag:$0x6], $0x2000, $0x38;
	[tilespmem:$0x8400] =	vst v63  }
0x126: {  	_ =	swait.ge [sflag:s15], $0x2000  }
0x127: {  	[sflag:s15] =	ssyncset.done $0x0  }
0x128: {  	s0 =	rddreg [dreg:$0x16];
	[sflag:s15] =	ssyncadd.s32 $0xFFFFE000  }
0x129: {  	[hbm4b:s0+s2] =	stream.linear.scatter [tilespmem:s10], [sflag:$0x7], $0x2000, $0x38;
	[tilespmem:$0x8400] =	vst v63  }
0x12a: {  	_ =	swait.ge [sflag:s13], $0x2000  }
0x12b: {  	[sflag:s13] =	ssyncset.done $0x0  }
0x12c: {  	s0 =	rddreg [dreg:$0x17];
	[sflag:s13] =	ssyncadd.s32 $0xFFFFE000  }
0x12d: {  	[hbm4b:s0+s2] =	stream.linear.scatter [tilespmem:s5], [sflag:$0x8], $0x2000, $0x38;
	[tilespmem:$0x8400] =	vst v63  }
0x12e: {  	_ =	swait.ge [sflag:s6], $0x2000  }
0x12f: {  	[sflag:s6] =	ssyncset.done $0x0  }
0x130: {  	[sflag:s6] =	ssyncadd.s32 $0xFFFFE000  }
0x131: {  	_ =	swait.ge [sflag:s7], $0x2000  }
0x132: {  	[sflag:s7] =	ssyncset.done $0x0  }
0x133: {  	p1 =	sne.s32 s1, $0x1;
	[sflag:s7] =	ssyncadd.s32 $0xFFFFE000  }
.Ltmp2:
0x134: {  	_ =	swait.ge [sflag:s8], $0x2000;
	(pc) =	sbr.rel @p1 .LBB2_2-.Ltmp2, $4  }
0x135: {  	[sflag:s8] =	ssyncset.done $0x0  }
0x136: {  	[sflag:s8] =	ssyncadd.s32 $0xFFFFE000  }
0x137: {  	_ =	swait.ge [sflag:s9], $0x2000  }
0x138: {  	s1 =	sadd.s32 $0xFFFFFFFF, s1;
	s0 =	rddreg [dreg:$0x6];
	[sflag:s9] =	ssyncset.done $0x0  }
.LBB2_3:
0x139: {  	[sflag:s9] =	ssyncadd.s32 @p0 $0xFFFFE000  }
0x13a: {  	[tilespmem:s2], [sflag:$0x9] =	stream.linear.gather [hbm4b:s0+s2], $0x200, $0x38;
	[tilespmem:$0x8400] =	vst v63  }
0x13b: {  	_ =	swait.ge [sflag:s31], $0x200  }
0x13c: {  	[sflag:s31] =	ssyncset.done $0x0  }
0x13d: {  	s1 =	rddreg [dreg:$0x7];
	[sflag:s31] =	ssyncadd.s32 $0xFFFFFE00  }
0x13e: {  	[tilespmem:s30], [sflag:$0x9] =	stream.linear.gather [hbm4b:s1+s2], $0x200, $0x38;
	[tilespmem:$0x8400] =	vst v63  }
0x13f: {  	_ =	swait.ge [sflag:s31], $0x200  }
0x140: {  	[sflag:s31] =	ssyncset.done $0x0  }
0x141: {  	[sflag:s31] =	ssyncadd.s32 $0xFFFFFE00  }
0x142: {  	[tilespmem:s12], [sflag:$0x1] =	stream.indirect.gather [hbm4b:s4+s14], $0x80, s2, s14, $0xb8;
	[tilespmem:$0x8400] =	vst v63  }
0x143: {  	_ = 	snop  }
0x144: {  	[tilespmem:s11], [sflag:$0x2] =	stream.indirect.gather [hbm4b:s3+s14], $0x80, s30, s14, $0xb8;
	[tilespmem:$0x8400] =	vst v63  }
0x145: {  	_ = 	snop  }
0x146: {  	[tilespmem:s10], [sflag:$0x3] =	stream.indirect.gather [hbm4b:s4+s14], $0x80, s14, s14, $0xb8;
	[tilespmem:$0x8400] =	vst v63  }
0x147: {  	s31 =	rddreg [dreg:$0x18]  }
0x148: {  	[tilespmem:s5], [sflag:$0x4] =	stream.indirect.gather [hbm4b:s3+s14], $0x80, s31, s14, $0xb8;
	[tilespmem:$0x8400] =	vst v63  }
0x149: {  	_ =	swait.ge [sflag:s17], $0x2000  }
0x14a: {  	[sflag:s17] =	ssyncset.done $0x0  }
0x14b: {  	s1 =	rddreg [dreg:$0x8];
	[sflag:s17] =	ssyncadd.s32 $0xFFFFE000  }
0x14c: {  	[hbm4b:s1+s2] =	stream.linear.scatter [tilespmem:s12], [sflag:$0x5], $0x2000, $0x38;
	[tilespmem:$0x8400] =	vst v63  }
0x14d: {  	_ =	swait.ge [sflag:s6], $0x2000  }
0x14e: {  	[sflag:s6] =	ssyncset.done $0x0  }
0x14f: {  	s30 =	rddreg [dreg:$0x19];
	[sflag:s6] =	ssyncadd.s32 $0xFFFFE000  }
0x150: {  	[tilespmem:s12], [sflag:$0x1] =	stream.indirect.gather [hbm4b:s4+s14], $0x80, s30, s14, $0xb8;
	[tilespmem:$0x8400] =	vst v63  }
0x151: {  	_ =	swait.ge [sflag:s16], $0x2000  }
0x152: {  	[sflag:s16] =	ssyncset.done $0x0  }
0x153: {  	s31 =	rddreg [dreg:$0x9];
	[sflag:s16] =	ssyncadd.s32 $0xFFFFE000  }
0x154: {  	[hbm4b:s31+s2] =	stream.linear.scatter [tilespmem:s11], [sflag:$0x6], $0x2000, $0x38;
	[tilespmem:$0x8400] =	vst v63  }
0x155: {  	_ =	swait.ge [sflag:s7], $0x2000  }
0x156: {  	[sflag:s7] =	ssyncset.done $0x0  }
0x157: {  	[sflag:s7] =	ssyncadd.s32 $0xFFFFE000  }
0x158: {  	[tilespmem:s11], [sflag:$0x2] =	stream.indirect.gather [hbm4b:s3+s14], $0x80, s29, s14, $0xb8;
	[tilespmem:$0x8400] =	vst v63  }
0x159: {  	_ =	swait.ge [sflag:s15], $0x2000  }
0x15a: {  	[sflag:s15] =	ssyncset.done $0x0  }
0x15b: {  	s1 =	rddreg [dreg:$0xa];
	[sflag:s15] =	ssyncadd.s32 $0xFFFFE000  }
0x15c: {  	[hbm4b:s1+s2] =	stream.linear.scatter [tilespmem:s10], [sflag:$0x7], $0x2000, $0x38;
	[tilespmem:$0x8400] =	vst v63  }
0x15d: {  	_ =	swait.ge [sflag:s8], $0x2000  }
0x15e: {  	[sflag:s8] =	ssyncset.done $0x0  }
0x15f: {  	[sflag:s8] =	ssyncadd.s32 $0xFFFFE000  }
0x160: {  	[tilespmem:s10], [sflag:$0x3] =	stream.indirect.gather [hbm4b:s4+s14], $0x80, s28, s14, $0xb8;
	[tilespmem:$0x8400] =	vst v63  }
0x161: {  	_ =	swait.ge [sflag:s13], $0x2000  }
0x162: {  	[sflag:s13] =	ssyncset.done $0x0  }
0x163: {  	s28 =	rddreg [dreg:$0xb];
	[sflag:s13] =	ssyncadd.s32 $0xFFFFE000  }
0x164: {  	[hbm4b:s28+s2] =	stream.linear.scatter [tilespmem:s5], [sflag:$0x8], $0x2000, $0x38;
	[tilespmem:$0x8400] =	vst v63  }
0x165: {  	_ =	swait.ge [sflag:s9], $0x2000  }
0x166: {  	[sflag:s9] =	ssyncset.done $0x0  }
0x167: {  	[sflag:s9] =	ssyncadd.s32 $0xFFFFE000  }
0x168: {  	[tilespmem:s5], [sflag:$0x4] =	stream.indirect.gather [hbm4b:s3+s14], $0x80, s26, s14, $0xb8;
	[tilespmem:$0x8400] =	vst v63  }
0x169: {  	_ =	swait.ge [sflag:s17], $0x2000  }
0x16a: {  	[sflag:s17] =	ssyncset.done $0x0  }
0x16b: {  	s29 =	rddreg [dreg:$0xc];
	[sflag:s17] =	ssyncadd.s32 $0xFFFFE000  }
0x16c: {  	[hbm4b:s29+s2] =	stream.linear.scatter [tilespmem:s12], [sflag:$0x5], $0x2000, $0x38;
	[tilespmem:$0x8400] =	vst v63  }
0x16d: {  	_ =	swait.ge [sflag:s6], $0x2000  }
0x16e: {  	[sflag:s6] =	ssyncset.done $0x0  }
0x16f: {  	[sflag:s6] =	ssyncadd.s32 $0xFFFFE000  }
0x170: {  	[tilespmem:s12], [sflag:$0x1] =	stream.indirect.gather [hbm4b:s4+s14], $0x80, s25, s14, $0xb8;
	[tilespmem:$0x8400] =	vst v63  }
0x171: {  	_ =	swait.ge [sflag:s16], $0x2000  }
0x172: {  	[sflag:s16] =	ssyncset.done $0x0  }
0x173: {  	s30 =	rddreg [dreg:$0xd];
	[sflag:s16] =	ssyncadd.s32 $0xFFFFE000  }
0x174: {  	[hbm4b:s30+s2] =	stream.linear.scatter [tilespmem:s11], [sflag:$0x6], $0x2000, $0x38;
	[tilespmem:$0x8400] =	vst v63  }
0x175: {  	_ =	swait.ge [sflag:s7], $0x2000  }
0x176: {  	[sflag:s7] =	ssyncset.done $0x0  }
0x177: {  	[sflag:s7] =	ssyncadd.s32 $0xFFFFE000  }
0x178: {  	[tilespmem:s11], [sflag:$0x2] =	stream.indirect.gather [hbm4b:s3+s14], $0x80, s24, s14, $0xb8;
	[tilespmem:$0x8400] =	vst v63  }
0x179: {  	_ =	swait.ge [sflag:s15], $0x2000  }
0x17a: {  	[sflag:s15] =	ssyncset.done $0x0  }
0x17b: {  	s31 =	rddreg [dreg:$0xe];
	[sflag:s15] =	ssyncadd.s32 $0xFFFFE000  }
0x17c: {  	[hbm4b:s31+s2] =	stream.linear.scatter [tilespmem:s10], [sflag:$0x7], $0x2000, $0x38;
	[tilespmem:$0x8400] =	vst v63  }
0x17d: {  	_ =	swait.ge [sflag:s8], $0x2000  }
0x17e: {  	[sflag:s8] =	ssyncset.done $0x0  }
0x17f: {  	[sflag:s8] =	ssyncadd.s32 $0xFFFFE000  }
0x180: {  	[tilespmem:s10], [sflag:$0x3] =	stream.indirect.gather [hbm4b:s4+s14], $0x80, s23, s14, $0xb8;
	[tilespmem:$0x8400] =	vst v63  }
0x181: {  	_ =	swait.ge [sflag:s13], $0x2000  }
0x182: {  	[sflag:s13] =	ssyncset.done $0x0  }
0x183: {  	s1 =	rddreg [dreg:$0xf];
	[sflag:s13] =	ssyncadd.s32 $0xFFFFE000  }
0x184: {  	[hbm4b:s1+s2] =	stream.linear.scatter [tilespmem:s5], [sflag:$0x8], $0x2000, $0x38;
	[tilespmem:$0x8400] =	vst v63  }
0x185: {  	_ =	swait.ge [sflag:s9], $0x2000  }
0x186: {  	[sflag:s9] =	ssyncset.done $0x0  }
0x187: {  	[sflag:s9] =	ssyncadd.s32 $0xFFFFE000  }
0x188: {  	[tilespmem:s5], [sflag:$0x4] =	stream.indirect.gather [hbm4b:s3+s14], $0x80, s22, s14, $0xb8;
	[tilespmem:$0x8400] =	vst v63  }
0x189: {  	_ =	swait.ge [sflag:s17], $0x2000  }
0x18a: {  	[sflag:s17] =	ssyncset.done $0x0  }
0x18b: {  	s22 =	rddreg [dreg:$0x10];
	[sflag:s17] =	ssyncadd.s32 $0xFFFFE000  }
0x18c: {  	[hbm4b:s22+s2] =	stream.linear.scatter [tilespmem:s12], [sflag:$0x5], $0x2000, $0x38;
	[tilespmem:$0x8400] =	vst v63  }
0x18d: {  	_ =	swait.ge [sflag:s6], $0x2000  }
0x18e: {  	[sflag:s6] =	ssyncset.done $0x0  }
0x18f: {  	[sflag:s6] =	ssyncadd.s32 $0xFFFFE000  }
0x190: {  	[tilespmem:s12], [sflag:$0x1] =	stream.indirect.gather [hbm4b:s4+s14], $0x80, s21, s14, $0xb8;
	[tilespmem:$0x8400] =	vst v63  }
0x191: {  	_ =	swait.ge [sflag:s16], $0x2000  }
0x192: {  	[sflag:s16] =	ssyncset.done $0x0  }
0x193: {  	s23 =	rddreg [dreg:$0x11];
	[sflag:s16] =	ssyncadd.s32 $0xFFFFE000  }
0x194: {  	[hbm4b:s23+s2] =	stream.linear.scatter [tilespmem:s11], [sflag:$0x6], $0x2000, $0x38;
	[tilespmem:$0x8400] =	vst v63  }
0x195: {  	_ =	swait.ge [sflag:s7], $0x2000  }
0x196: {  	[sflag:s7] =	ssyncset.done $0x0  }
0x197: {  	[sflag:s7] =	ssyncadd.s32 $0xFFFFE000  }
0x198: {  	[tilespmem:s11], [sflag:$0x2] =	stream.indirect.gather [hbm4b:s3+s14], $0x80, s20, s14, $0xb8;
	[tilespmem:$0x8400] =	vst v63  }
0x199: {  	_ =	swait.ge [sflag:s15], $0x2000  }
0x19a: {  	[sflag:s15] =	ssyncset.done $0x0  }
0x19b: {  	s24 =	rddreg [dreg:$0x12];
	[sflag:s15] =	ssyncadd.s32 $0xFFFFE000  }
0x19c: {  	[hbm4b:s24+s2] =	stream.linear.scatter [tilespmem:s10], [sflag:$0x7], $0x2000, $0x38;
	[tilespmem:$0x8400] =	vst v63  }
0x19d: {  	_ =	swait.ge [sflag:s8], $0x2000  }
0x19e: {  	[sflag:s8] =	ssyncset.done $0x0  }
0x19f: {  	[sflag:s8] =	ssyncadd.s32 $0xFFFFE000  }
0x1a0: {  	[tilespmem:s10], [sflag:$0x3] =	stream.indirect.gather [hbm4b:s4+s14], $0x80, s19, s14, $0xb8;
	[tilespmem:$0x8400] =	vst v63  }
0x1a1: {  	_ =	swait.ge [sflag:s13], $0x2000  }
0x1a2: {  	[sflag:s13] =	ssyncset.done $0x0  }
0x1a3: {  	s25 =	rddreg [dreg:$0x13];
	[sflag:s13] =	ssyncadd.s32 $0xFFFFE000  }
0x1a4: {  	[hbm4b:s25+s2] =	stream.linear.scatter [tilespmem:s5], [sflag:$0x8], $0x2000, $0x38;
	[tilespmem:$0x8400] =	vst v63  }
0x1a5: {  	_ =	swait.ge [sflag:s9], $0x2000  }
0x1a6: {  	[sflag:s9] =	ssyncset.done $0x0  }
0x1a7: {  	[sflag:s9] =	ssyncadd.s32 $0xFFFFE000  }
0x1a8: {  	[tilespmem:s5], [sflag:$0x4] =	stream.indirect.gather [hbm4b:s3+s14], $0x80, s18, s14, $0xb8;
	[tilespmem:$0x8400] =	vst v63  }
0x1a9: {  	_ =	swait.ge [sflag:s17], $0x2000  }
0x1aa: {  	[sflag:s17] =	ssyncset.done $0x0  }
0x1ab: {  	s26 =	rddreg [dreg:$0x14];
	[sflag:s17] =	ssyncadd.s32 $0xFFFFE000  }
0x1ac: {  	[hbm4b:s26+s2] =	stream.linear.scatter [tilespmem:s12], [sflag:$0x5], $0x2000, $0x38;
	[tilespmem:$0x8400] =	vst v63  }
0x1ad: {  	_ =	swait.ge [sflag:s16], $0x2000  }
0x1ae: {  	[sflag:s16] =	ssyncset.done $0x0  }
0x1af: {  	s28 =	rddreg [dreg:$0x15];
	[sflag:s16] =	ssyncadd.s32 $0xFFFFE000  }
0x1b0: {  	[hbm4b:s28+s2] =	stream.linear.scatter [tilespmem:s11], [sflag:$0x6], $0x2000, $0x38;
	[tilespmem:$0x8400] =	vst v63  }
0x1b1: {  	_ =	swait.ge [sflag:s15], $0x2000  }
0x1b2: {  	[sflag:s15] =	ssyncset.done $0x0  }
0x1b3: {  	s29 =	rddreg [dreg:$0x16];
	[sflag:s15] =	ssyncadd.s32 $0xFFFFE000  }
0x1b4: {  	[hbm4b:s29+s2] =	stream.linear.scatter [tilespmem:s10], [sflag:$0x7], $0x2000, $0x38;
	[tilespmem:$0x8400] =	vst v63  }
0x1b5: {  	_ =	swait.ge [sflag:s13], $0x2000  }
0x1b6: {  	[sflag:s13] =	ssyncset.done $0x0  }
0x1b7: {  	s30 =	rddreg [dreg:$0x17];
	[sflag:s13] =	ssyncadd.s32 $0xFFFFE000  }
0x1b8: {  	[hbm4b:s30+s2] =	stream.linear.scatter [tilespmem:s5], [sflag:$0x8], $0x2000, $0x38;
	[tilespmem:$0x8400] =	vst v63  }
0x1b9: {  	_ =	swait.ge [sflag:s6], $0x2000  }
0x1ba: {  	[sflag:s6] =	ssyncset.done $0x0  }
0x1bb: {  	[sflag:s6] =	ssyncadd.s32 $0xFFFFE000  }
0x1bc: {  	_ =	swait.ge [sflag:s7], $0x2000  }
0x1bd: {  	[sflag:s7] =	ssyncset.done $0x0  }
0x1be: {  	[sflag:s7] =	ssyncadd.s32 $0xFFFFE000  }
0x1bf: {  	_ =	swait.ge [sflag:s8], $0x2000  }
0x1c0: {  	[sflag:s8] =	ssyncset.done $0x0  }
0x1c1: {  	[sflag:s8] =	ssyncadd.s32 $0xFFFFE000  }
0x1c2: {  	_ =	swait.ge [sflag:s9], $0x2000  }
0x1c3: {  	[sflag:s9] =	ssyncset.done $0x0  }
0x1c4: {  	[sflag:s9] =	ssyncadd.s32 $0xFFFFE000  }
0x1c5: {  	_ =	sfence.sel $0x180000  }
0x1c6: {  	[bflag:$0x0] =	sbarrier.arrive $0xFFFF  }
0x1c7: {  	_ =	strace $0x90000047  }
0x1c8: {  	s31 =	stileid.u32;
	[bflag:$0x2] =	sbarrier.arrive $0xFFFF  }
0x1c9: {  	p0 =	sne.s32 s31, $0x0;
	s0 =	rddreg [dreg:$0x5]  }
0x1ca: {  	s0 =	sadd.s32 @!p0 $0x100000, s0  }
0x1cb: {  	[sflag:s0] =	ssyncadd.tile.s32 @!p0 $0x1;
	_ =	shalt  }
.Lfunc_end2:
_tile_overlayer_lowered:
.L_overlay_start_2:
0x1cc: {  	(tag) =	ssettag $0x2  }
0x1cd: {  	s0 =	rddreg [dreg:$0x0];
	s2 =	stileid.u32  }
0x1ce: {  	s1 =	rddreg [dreg:$0x1];
	p0 =	sne.s32 s2, $0x0  }
0x1cf: {  	s3 =	rddreg [dreg:$0x2];
	[bflag:$0x3] =	sbarrier.arrive $0xFFFF;
	s2 =	simm.s32 @!p0 $0x1C09  }
0x1d0: {  	[timem:s3], [sflag:s2] =	dma.local @!p0 [hbm:s0], s1  }
0x1d1: {  	s0 =	simm.s32 @!p0 $0x9  }
0x1d2: {  	_ =	swait.ge @!p0 [sflag:s0], s1  }
0x1d3: {  	s1 =	ssub.s32 @!p0 $0x0, s1;
	[sflag:s0] =	ssyncset.done @!p0 $0x0  }
0x1d4: {  	[sflag:s0] =	ssyncadd.s32 @!p0 s1  }
0x1d5: {  	[bflag:$0x3] =	sbarrier.arrive $0xFFFF  }
0x1d6: {  	_ =	shalt  }

</sc_bundles>
